<compile_context>
chip_gen: v7x
topology: tpu7x:2x2x1
jax: 0.10.2.dev20260603
libtpu: 0.0.44.dev20260713+nightly
codegen_flags: <defaults>
</compile_context>

<pallas_src>
import functools
import jax
import jax.numpy as jnp
from jax import lax
from jax.experimental import pallas as pl
from jax.experimental.pallas import tpu as pltpu
from jax.experimental.pallas import tpu_sc as plsc

N_IN = 10
N_OUT = 64
M_ROWS = 16384
NVARS = 2 ** N_IN - 2

NCB = 4
NRB = 8
ROWS_PER_TILE = M_ROWS // NRB
GROUPS = ROWS_PER_TILE // 16
CW = N_OUT // NCB


def _batcher_pairs(n):
    pairs = []
    p2 = 1
    while p2 < n:
        p2 *= 2

    def compare(a, b):
        if a < n and b < n:
            pairs.append((a, b))

    def merge(lo, hi, r):
        step = r * 2
        if step < hi - lo:
            merge(lo, hi, step)
            merge(lo + r, hi, step)
            for i in range(lo + r, hi - r, step):
                compare(i, i + r)
        else:
            compare(lo, lo + r)

    def sort(lo, hi):
        if hi - lo >= 1:
            mid = lo + (hi - lo) // 2
            sort(lo, mid)
            sort(mid + 1, hi)
            merge(lo, hi, 1)

    sort(0, p2 - 1)
    return pairs


_PAIRS = _batcher_pairs(N_IN)


def _round_bf16(x):
    u = plsc.bitcast(x, jnp.uint32)
    lsb = jnp.bitwise_and(
        lax.shift_right_logical(u, jnp.full((16,), 16, jnp.uint32)),
        jnp.full((16,), 1, jnp.uint32))
    u = u + lsb + jnp.full((16,), 0x7FFF, jnp.uint32)
    u = jnp.bitwise_and(u, jnp.full((16,), 0xFFFF0000, jnp.uint32))
    return plsc.bitcast(u, jnp.float32)

_mesh = plsc.VectorSubcoreMesh(core_axis_name="c", subcore_axis_name="s")


@functools.partial(
    pl.kernel,
    out_type=jax.ShapeDtypeStruct((M_ROWS, N_OUT), jnp.float32),
    mesh=_mesh,
    scratch_types=[
        pltpu.VMEM(((NVARS + 2) * CW,), jnp.float32),
        pltpu.VMEM(((NVARS + 2) * CW,), jnp.float32),
        pltpu.VMEM((NVARS * CW,), jnp.float32),
        pltpu.VMEM((ROWS_PER_TILE * N_IN,), jnp.float32),
        pltpu.VMEM((ROWS_PER_TILE, CW), jnp.float32),
        pltpu.SemaphoreType.DMA,
    ],
    compiler_params=pltpu.CompilerParams(needs_layout_passes=False,
                                         use_tc_tiling_on_sc=False),
)
def _choquet_sc(in_hbm, vars_hbm, out_hbm, T, Tc, chi, xin, ob, sem):
    wid = lax.axis_index("c") * 16 + lax.axis_index("s")
    rb = wid // NCB
    cb = lax.rem(wid, NCB)
    r0 = rb * ROWS_PER_TILE

    in_copy = pltpu.make_async_copy(
        in_hbm.at[pl.ds(r0 * N_IN, ROWS_PER_TILE * N_IN)], xin, sem)
    in_copy.start()
    pltpu.sync_copy(vars_hbm.at[cb], chi)

    iota = lax.iota(jnp.int32, 16)
    zeros = jnp.zeros((16,), jnp.float32)
    ones = jnp.ones((16,), jnp.float32)
    fifteen = jnp.full((16,), 15, jnp.int32)

    T[pl.ds(0, 16)] = zeros
    Tc[pl.ds((NVARS + 1) * CW, 16)] = ones

    def dp_one(s):
        addrs = []
        for b in range(N_IN):
            bit = lax.rem(lax.shift_right_logical(s, b), 2)
            addrs.append(jnp.where(bit == 1, (s - (1 << b)) * CW, 0))
        ls = [T[pl.ds(a, 16)] for a in addrs]
        while len(ls) > 1:
            ls = [jnp.maximum(ls[i], ls[i + 1])
                  for i in range(0, len(ls) - 1, 2)] + \
                 (ls[-1:] if len(ls) % 2 else [])
        row = ls[0] + jnp.abs(chi[pl.ds((s - 1) * CW, 16)])
        T[pl.ds(s * CW, 16)] = row
        Tc[pl.ds(s * CW, 16)] = _round_bf16(jnp.minimum(row, 1.0))

    def dp_pair(i, carry):
        dp_one(2 * i + 1)
        dp_one(2 * i + 2)
        return carry

    lax.fori_loop(0, NVARS // 2, dp_pair, 0)

    in_copy.wait()

    i10 = iota * N_IN

    @plsc.parallel_loop(0, GROUPS, 1, unroll=2)
    def row_group(g):
        rvec = iota + g * 16
        base10 = i10 + g * (16 * N_IN)
        xs = [plsc.load_gather(xin, [base10 + f]) for f in range(N_IN)]
        ps = [jnp.full((16,), 1 << f, jnp.int32) for f in range(N_IN)]
        for a, b in _PAIRS:
            swap = xs[a] < xs[b]
            hi = jnp.maximum(xs[a], xs[b])
            lo = jnp.minimum(xs[a], xs[b])
            pa = jnp.where(swap, ps[b], ps[a])
            pb = jnp.where(swap, ps[a], ps[b])
            xs[a], xs[b] = hi, lo
            ps[a], ps[b] = pa, pb
        cums = [ps[0]]
        for r in range(1, N_IN):
            cums.append(cums[-1] + ps[r])
        a16 = [lax.shift_left(c, 4) for c in cums]
        ds = [_round_bf16(xs[r] - xs[r + 1]) for r in range(N_IN - 1)]
        ds.append(_round_bf16(xs[N_IN - 1]))
        rows16 = rvec
        for j in range(CW // 2):
            colv = jnp.bitwise_and(iota + j, fifteen)
            acc = ds[N_IN - 1] + ds[0] * plsc.load_gather(Tc, [a16[0] + colv])
            for r in range(1, N_IN - 1):
                acc = acc + ds[r] * plsc.load_gather(Tc, [a16[r] + colv])
            plsc.store_scatter(ob, [rows16, colv], acc)

    pltpu.sync_copy(ob, out_hbm.at[pl.ds(r0, ROWS_PER_TILE),
                                   pl.ds(cb * CW, CW)])


def kernel(inputs, vars):
    in_flat = inputs.reshape(-1)
    vars_blk = vars.reshape(NVARS, NCB, CW).transpose(1, 0, 2).reshape(NCB, -1)
    return _choquet_sc(in_flat, vars_blk)

# --- scband reference (transcript-rebuilt; emitter-appended) ---
"""Pipeline reference for scband-choquet-integral-3289944949020 (READ-ONLY COPY).

The authoritative reference and input builder live on the scoring server;
editing this copy changes nothing except your own understanding.
"""

import jax, jax.numpy as jnp
import numpy as np

N_IN = 10
N_OUT = 64
M = 16384
NVARS = 2 ** N_IN - 2


def _subsets(N):
    # subset[s-1] = indices (0-based) of the sets obtained by removing one source from set s
    subset = []
    for s in range(1, 2 ** N):
        bits = [b for b in range(N) if (s >> b) & 1]
        subset.append([s - 1 - 2 ** b for b in bits])
    return subset

SUBSET = _subsets(N_IN)


def _chi_nn_vars(chi_vars):
    # Faithful port of Choquet_integral.chi_nn_vars
    chi_vars = jnp.abs(chi_vars)
    rows = [chi_vars[0]]
    for i in range(1, NVARS):
        idx = SUBSET[i]
        if len(idx) == 1:
            rows.append(chi_vars[i])
        else:
            maxVal = jnp.max(jnp.stack([rows[j] for j in idx], axis=0), axis=0)
            rows.append(maxVal + chi_vars[i])
    rows.append(jnp.ones((N_OUT,), dtype=chi_vars.dtype))
    FM = jnp.stack(rows, axis=0)  # [2^N - 1, N_OUT]
    return jnp.minimum(FM, jnp.float32(1.0))


def setup_inputs(seed: int = 0) -> dict:
    key = jax.random.key(seed)
    k1, k2 = jax.random.split(key)
    inputs = jax.random.normal(k1, (M, N_IN), dtype=jnp.float32)
    # learned parameter (self.vars), init ~ 1/N_in with small jitter to break max-ties
    vars_ = (1.0 / N_IN) * jnp.ones((NVARS, N_OUT), dtype=jnp.float32) \
        + 0.01 * jax.random.normal(k2, (NVARS, N_OUT), dtype=jnp.float32)
    return {"inputs": inputs, "vars": vars_}


def reference(inputs, vars):
    FM = _chi_nn_vars(vars)
    Mloc, N = inputs.shape
    # descending sort per row
    sortInd = jnp.argsort(-inputs, axis=1)
    sortInputs = jnp.take_along_axis(inputs, sortInd, axis=1)
    sortInputs = jnp.concatenate(
        [sortInputs, jnp.zeros((Mloc, 1), dtype=inputs.dtype)], axis=1)
    diffs = sortInputs[:, :-1] - sortInputs[:, 1:]
    out = jnp.cumsum(jnp.power(jnp.int64(2), sortInd.astype(jnp.int64)), axis=1) - 1
    # scatter-overwrite: data[i, out[i, :]] = diffs[i, :]
    data = jnp.zeros((Mloc, NVARS + 1), dtype=inputs.dtype)
    row_idx = jnp.arange(Mloc)[:, None]
    data = data.at[row_idx, out].set(diffs)
    ChI = data @ FM
    return ChI

if __name__ == "__main__":
    import jax
    _d = setup_inputs()
    print(jax.jit(kernel)(*tuple(_d.values())))

</pallas_src>

<mosaic_0001>
#map = affine_map<(d0, d1) -> (0)>
#map1 = affine_map<(d0, d1) -> (0, 0)>
module attributes {stable_mosaic.version = 14 : i64} {
  func.func @_choquet_sc(%arg0: i32, %arg1: i32, %arg2: memref<163840xf32, #tpu.memory_space<hbm>>, %arg3: memref<4x16352xf32, #tpu.memory_space<hbm>>, %arg4: memref<16384x64xf32, #tpu.memory_space<hbm>>, %arg5: memref<16384xf32, #tpu.memory_space<vmem>>, %arg6: memref<16384xf32, #tpu.memory_space<vmem>>, %arg7: memref<16352xf32, #tpu.memory_space<vmem>>, %arg8: memref<20480xf32, #tpu.memory_space<vmem>>, %arg9: memref<2048x16xf32, #tpu.memory_space<vmem>>, %arg10: memref<!tpu.dma_semaphore, #tpu.memory_space<semaphore_mem>>) attributes {dimension_semantics = [#tpu.dimension_semantics<core_parallel>, #tpu.dimension_semantics<subcore_parallel>], iteration_bounds = array<i64: 2, 16>, scalar_prefetch = 0 : i64, scratch_operands = 6 : i64, tpu.core_type = #tpu.core_type<sc_vector_subcore>, window_params = [{transform_indices = #map}, {transform_indices = #map1}, {transform_indices = #map1}]} {
    %mul3A = arith.constant 16 : i32
    %mul3A_0 = arith.muli %arg0, %mul3A : i32
    %add3A = arith.addi %mul3A_0, %arg1 : i32
    %jit3A = arith.constant 4 : i32
    %div3A = arith.divsi %add3A, %jit3A : i32
    %sign3A = arith.constant 0 : i32
    %sign3A_1 = arith.cmpi sgt, %add3A, %sign3A : i32
    %sign3A_2 = arith.extui %sign3A_1 : i1 to i32
    %sign3A_3 = arith.constant 0 : i32
    %sign3A_4 = arith.cmpi slt, %add3A, %sign3A_3 : i32
    %sign3A_5 = arith.extui %sign3A_4 : i1 to i32
    %sign3A_6 = arith.subi %sign3A_2, %sign3A_5 : i32
    %sign3A_7 = arith.constant 0 : i32
    %sign3A_8 = arith.cmpi sgt, %jit3A, %sign3A_7 : i32
    %sign3A_9 = arith.extui %sign3A_8 : i1 to i32
    %sign3A_10 = arith.constant 0 : i32
    %sign3A_11 = arith.cmpi slt, %jit3A, %sign3A_10 : i32
    %sign3A_12 = arith.extui %sign3A_11 : i1 to i32
    %sign3A_13 = arith.subi %sign3A_9, %sign3A_12 : i32
    %ne3A = arith.cmpi ne, %sign3A_6, %sign3A_13 : i32
    %rem3A = arith.remsi %add3A, %jit3A : i32
    %ne3A_14 = arith.constant 0 : i32
    %ne3A_15 = arith.cmpi ne, %rem3A, %ne3A_14 : i32
    %and3A = arith.andi %ne3A, %ne3A_15 : i1
    %sub3A = arith.constant 1 : i32
    %sub3A_16 = arith.subi %div3A, %sub3A : i32
    %select_n3A = arith.select %and3A, %sub3A_16, %div3A : i32
    %rem3A_17 = arith.constant 4 : i32
    %rem3A_18 = arith.remsi %add3A, %rem3A_17 : i32
    %mul3A_19 = arith.constant 2048 : i32
    %mul3A_20 = arith.muli %select_n3A, %mul3A_19 : i32
    %mul3A_21 = arith.constant 10 : i32
    %mul3A_22 = arith.muli %mul3A_20, %mul3A_21 : i32
    %dma_start3A = tpu.memref_slice %arg2[%mul3A_22] : memref<163840xf32, #tpu.memory_space<hbm>> -> memref<20480xf32, #tpu.memory_space<hbm>>
    %dma_start3A_23 = tpu.memref_slice %arg2[%mul3A_22] : memref<163840xf32, #tpu.memory_space<hbm>> -> memref<20480xf32, #tpu.memory_space<hbm>>
    tpu.enqueue_dma source(%dma_start3A_23 : memref<20480xf32, #tpu.memory_space<hbm>>) target(%arg8 : memref<20480xf32, #tpu.memory_space<vmem>>) target_semaphore(%arg10 : memref<!tpu.dma_semaphore, #tpu.memory_space<semaphore_mem>>)
    "tpu.region"() ({
      %run_scoped3A = tpu.sem_alloc : memref<!tpu.dma_semaphore, #tpu.memory_space<semaphore_mem>>
      %dma_start3A_45 = arith.constant 0 : i32
      %dma_start3A_46 = tpu.memref_slice %arg3[%rem3A_18, %dma_start3A_45] : memref<4x16352xf32, #tpu.memory_space<hbm>> -> memref<1x16352xf32, #tpu.memory_space<hbm>>
      %dma_start3A_47 = tpu.memref_squeeze %dma_start3A_46 : memref<1x16352xf32, #tpu.memory_space<hbm>> -> memref<16352xf32, #tpu.memory_space<hbm>>
      %dma_start3A_48 = arith.constant 0 : i32
      %dma_start3A_49 = tpu.memref_slice %arg3[%rem3A_18, %dma_start3A_48] : memref<4x16352xf32, #tpu.memory_space<hbm>> -> memref<1x16352xf32, #tpu.memory_space<hbm>>
      %dma_start3A_50 = tpu.memref_squeeze %dma_start3A_49 : memref<1x16352xf32, #tpu.memory_space<hbm>> -> memref<16352xf32, #tpu.memory_space<hbm>>
      tpu.enqueue_dma source(%dma_start3A_50 : memref<16352xf32, #tpu.memory_space<hbm>>) target(%arg7 : memref<16352xf32, #tpu.memory_space<vmem>>) target_semaphore(%run_scoped3A : memref<!tpu.dma_semaphore, #tpu.memory_space<semaphore_mem>>)
      %dma_wait3A_51 = arith.constant 0 : i32
      %dma_wait3A_52 = tpu.memref_slice %arg3[%rem3A_18, %dma_wait3A_51] : memref<4x16352xf32, #tpu.memory_space<hbm>> -> memref<1x16352xf32, #tpu.memory_space<hbm>>
      %dma_wait3A_53 = tpu.memref_squeeze %dma_wait3A_52 : memref<1x16352xf32, #tpu.memory_space<hbm>> -> memref<16352xf32, #tpu.memory_space<hbm>>
      %dma_wait3A_54 = arith.constant 0 : i32
      %dma_wait3A_55 = tpu.memref_slice %arg3[%rem3A_18, %dma_wait3A_54] : memref<4x16352xf32, #tpu.memory_space<hbm>> -> memref<1x16352xf32, #tpu.memory_space<hbm>>
      %dma_wait3A_56 = tpu.memref_squeeze %dma_wait3A_55 : memref<1x16352xf32, #tpu.memory_space<hbm>> -> memref<16352xf32, #tpu.memory_space<hbm>>
      tpu.wait_dma2 semaphore(%run_scoped3A : memref<!tpu.dma_semaphore, #tpu.memory_space<semaphore_mem>>) src(%dma_wait3A_56 : memref<16352xf32, #tpu.memory_space<hbm>>) dst(%arg7 : memref<16352xf32, #tpu.memory_space<vmem>>)
      tpu.yield
    }) : () -> ()
    %iota3A = tpu.iota {dimensions = array<i32: 0>} : vector<16xi32>
    %broadcast_in_dim3A = arith.constant 0.000000e+00 : f32
    %broadcast_in_dim3A_24 = vector.broadcast %broadcast_in_dim3A : f32 to vector<16xf32>
    %broadcast_in_dim3A_25 = arith.constant 1.000000e+00 : f32
    %broadcast_in_dim3A_26 = vector.broadcast %broadcast_in_dim3A_25 : f32 to vector<16xf32>
    %broadcast_in_dim3A_27 = arith.constant 15 : i32
    %broadcast_in_dim3A_28 = vector.broadcast %broadcast_in_dim3A_27 : i32 to vector<16xi32>
    %swap3A = arith.constant 0 : index
    %swap3A_29 = tpu.vector_load %arg5[%swap3A] {strides = array<i32>} : memref<16384xf32, #tpu.memory_space<vmem>>, vector<16xf32>,
    tpu.vector_store %arg5[%swap3A], %broadcast_in_dim3A_24 {strides = array<i32>} : memref<16384xf32, #tpu.memory_space<vmem>>, vector<16xf32>,
    %swap3A_30 = arith.constant 16368 : index
    %swap3A_31 = tpu.vector_load %arg6[%swap3A_30] {strides = array<i32>} : memref<16384xf32, #tpu.memory_space<vmem>>, vector<16xf32>,
    tpu.vector_store %arg6[%swap3A_30], %broadcast_in_dim3A_26 {strides = array<i32>} : memref<16384xf32, #tpu.memory_space<vmem>>, vector<16xf32>,
    %scan3A = arith.constant 0 : i32
    %scan3A_32 = arith.constant 0 : i32
    %scan3A_33 = arith.constant 511 : i32
    %scan3A_34 = arith.addi %scan3A_32, %scan3A_33 : i32
    %scan3A_35 = arith.constant 1 : i32
    scf.for %scan3A_45 = %scan3A_32 to %scan3A_34 step %scan3A_35  : i32 {
      %mul3A_46 = arith.constant 2 : i32
      %mul3A_47 = arith.muli %mul3A_46, %scan3A_45 : i32
      %add3A_48 = arith.constant 1 : i32
      %add3A_49 = arith.addi %mul3A_47, %add3A_48 : i32
      %shift_right_logical3A = arith.constant 0 : i32
      %shift_right_logical3A_50 = arith.shrui %add3A_49, %shift_right_logical3A : i32
      %rem3A_51 = arith.constant 2 : i32
      %rem3A_52 = arith.remsi %shift_right_logical3A_50, %rem3A_51 : i32
      %eq3A = arith.constant 1 : i32
      %eq3A_53 = arith.cmpi eq, %rem3A_52, %eq3A : i32
      %sub3A_54 = arith.constant 1 : i32
      %sub3A_55 = arith.subi %add3A_49, %sub3A_54 : i32
      %mul3A_56 = arith.constant 16 : i32
      %mul3A_57 = arith.muli %sub3A_55, %mul3A_56 : i32
      %jit3A_58 = arith.constant 0 : i32
      %select_n3A_59 = arith.select %eq3A_53, %mul3A_57, %jit3A_58 : i32
      %shift_right_logical3A_60 = arith.constant 1 : i32
      %shift_right_logical3A_61 = arith.shrui %add3A_49, %shift_right_logical3A_60 : i32
      %rem3A_62 = arith.constant 2 : i32
      %rem3A_63 = arith.remsi %shift_right_logical3A_61, %rem3A_62 : i32
      %eq3A_64 = arith.constant 1 : i32
      %eq3A_65 = arith.cmpi eq, %rem3A_63, %eq3A_64 : i32
      %sub3A_66 = arith.constant 2 : i32
      %sub3A_67 = arith.subi %add3A_49, %sub3A_66 : i32
      %mul3A_68 = arith.constant 16 : i32
      %mul3A_69 = arith.muli %sub3A_67, %mul3A_68 : i32
      %jit3A_70 = arith.constant 0 : i32
      %select_n3A_71 = arith.select %eq3A_65, %mul3A_69, %jit3A_70 : i32
      %shift_right_logical3A_72 = arith.constant 2 : i32
      %shift_right_logical3A_73 = arith.shrui %add3A_49, %shift_right_logical3A_72 : i32
      %rem3A_74 = arith.constant 2 : i32
      %rem3A_75 = arith.remsi %shift_right_logical3A_73, %rem3A_74 : i32
      %eq3A_76 = arith.constant 1 : i32
      %eq3A_77 = arith.cmpi eq, %rem3A_75, %eq3A_76 : i32
      %sub3A_78 = arith.constant 4 : i32
      %sub3A_79 = arith.subi %add3A_49, %sub3A_78 : i32
      %mul3A_80 = arith.constant 16 : i32
      %mul3A_81 = arith.muli %sub3A_79, %mul3A_80 : i32
      %jit3A_82 = arith.constant 0 : i32
      %select_n3A_83 = arith.select %eq3A_77, %mul3A_81, %jit3A_82 : i32
      %shift_right_logical3A_84 = arith.constant 3 : i32
      %shift_right_logical3A_85 = arith.shrui %add3A_49, %shift_right_logical3A_84 : i32
      %rem3A_86 = arith.constant 2 : i32
      %rem3A_87 = arith.remsi %shift_right_logical3A_85, %rem3A_86 : i32
      %eq3A_88 = arith.constant 1 : i32
      %eq3A_89 = arith.cmpi eq, %rem3A_87, %eq3A_88 : i32
      %sub3A_90 = arith.constant 8 : i32
      %sub3A_91 = arith.subi %add3A_49, %sub3A_90 : i32
      %mul3A_92 = arith.constant 16 : i32
      %mul3A_93 = arith.muli %sub3A_91, %mul3A_92 : i32
      %jit3A_94 = arith.constant 0 : i32
      %select_n3A_95 = arith.select %eq3A_89, %mul3A_93, %jit3A_94 : i32
      %shift_right_logical3A_96 = arith.constant 4 : i32
      %shift_right_logical3A_97 = arith.shrui %add3A_49, %shift_right_logical3A_96 : i32
      %rem3A_98 = arith.constant 2 : i32
      %rem3A_99 = arith.remsi %shift_right_logical3A_97, %rem3A_98 : i32
      %eq3A_100 = arith.constant 1 : i32
      %eq3A_101 = arith.cmpi eq, %rem3A_99, %eq3A_100 : i32
      %sub3A_102 = arith.constant 16 : i32
      %sub3A_103 = arith.subi %add3A_49, %sub3A_102 : i32
      %mul3A_104 = arith.constant 16 : i32
      %mul3A_105 = arith.muli %sub3A_103, %mul3A_104 : i32
      %jit3A_106 = arith.constant 0 : i32
      %select_n3A_107 = arith.select %eq3A_101, %mul3A_105, %jit3A_106 : i32
      %shift_right_logical3A_108 = arith.constant 5 : i32
      %shift_right_logical3A_109 = arith.shrui %add3A_49, %shift_right_logical3A_108 : i32
      %rem3A_110 = arith.constant 2 : i32
      %rem3A_111 = arith.remsi %shift_right_logical3A_109, %rem3A_110 : i32
      %eq3A_112 = arith.constant 1 : i32
      %eq3A_113 = arith.cmpi eq, %rem3A_111, %eq3A_112 : i32
      %sub3A_114 = arith.constant 32 : i32
      %sub3A_115 = arith.subi %add3A_49, %sub3A_114 : i32
      %mul3A_116 = arith.constant 16 : i32
      %mul3A_117 = arith.muli %sub3A_115, %mul3A_116 : i32
      %jit3A_118 = arith.constant 0 : i32
      %select_n3A_119 = arith.select %eq3A_113, %mul3A_117, %jit3A_118 : i32
      %shift_right_logical3A_120 = arith.constant 6 : i32
      %shift_right_logical3A_121 = arith.shrui %add3A_49, %shift_right_logical3A_120 : i32
      %rem3A_122 = arith.constant 2 : i32
      %rem3A_123 = arith.remsi %shift_right_logical3A_121, %rem3A_122 : i32
      %eq3A_124 = arith.constant 1 : i32
      %eq3A_125 = arith.cmpi eq, %rem3A_123, %eq3A_124 : i32
      %sub3A_126 = arith.constant 64 : i32
      %sub3A_127 = arith.subi %add3A_49, %sub3A_126 : i32
      %mul3A_128 = arith.constant 16 : i32
      %mul3A_129 = arith.muli %sub3A_127, %mul3A_128 : i32
      %jit3A_130 = arith.constant 0 : i32
      %select_n3A_131 = arith.select %eq3A_125, %mul3A_129, %jit3A_130 : i32
      %shift_right_logical3A_132 = arith.constant 7 : i32
      %shift_right_logical3A_133 = arith.shrui %add3A_49, %shift_right_logical3A_132 : i32
      %rem3A_134 = arith.constant 2 : i32
      %rem3A_135 = arith.remsi %shift_right_logical3A_133, %rem3A_134 : i32
      %eq3A_136 = arith.constant 1 : i32
      %eq3A_137 = arith.cmpi eq, %rem3A_135, %eq3A_136 : i32
      %sub3A_138 = arith.constant 128 : i32
      %sub3A_139 = arith.subi %add3A_49, %sub3A_138 : i32
      %mul3A_140 = arith.constant 16 : i32
      %mul3A_141 = arith.muli %sub3A_139, %mul3A_140 : i32
      %jit3A_142 = arith.constant 0 : i32
      %select_n3A_143 = arith.select %eq3A_137, %mul3A_141, %jit3A_142 : i32
      %shift_right_logical3A_144 = arith.constant 8 : i32
      %shift_right_logical3A_145 = arith.shrui %add3A_49, %shift_right_logical3A_144 : i32
      %rem3A_146 = arith.constant 2 : i32
      %rem3A_147 = arith.remsi %shift_right_logical3A_145, %rem3A_146 : i32
      %eq3A_148 = arith.constant 1 : i32
      %eq3A_149 = arith.cmpi eq, %rem3A_147, %eq3A_148 : i32
      %sub3A_150 = arith.constant 256 : i32
      %sub3A_151 = arith.subi %add3A_49, %sub3A_150 : i32
      %mul3A_152 = arith.constant 16 : i32
      %mul3A_153 = arith.muli %sub3A_151, %mul3A_152 : i32
      %jit3A_154 = arith.constant 0 : i32
      %select_n3A_155 = arith.select %eq3A_149, %mul3A_153, %jit3A_154 : i32
      %shift_right_logical3A_156 = arith.constant 9 : i32
      %shift_right_logical3A_157 = arith.shrui %add3A_49, %shift_right_logical3A_156 : i32
      %rem3A_158 = arith.constant 2 : i32
      %rem3A_159 = arith.remsi %shift_right_logical3A_157, %rem3A_158 : i32
      %eq3A_160 = arith.constant 1 : i32
      %eq3A_161 = arith.cmpi eq, %rem3A_159, %eq3A_160 : i32
      %sub3A_162 = arith.constant 512 : i32
      %sub3A_163 = arith.subi %add3A_49, %sub3A_162 : i32
      %mul3A_164 = arith.constant 16 : i32
      %mul3A_165 = arith.muli %sub3A_163, %mul3A_164 : i32
      %jit3A_166 = arith.constant 0 : i32
      %select_n3A_167 = arith.select %eq3A_161, %mul3A_165, %jit3A_166 : i32
      %get3A = arith.index_cast %select_n3A_59 : i32 to index
      %get3A_168 = tpu.vector_load %arg5[%get3A] {strides = array<i32>} : memref<16384xf32, #tpu.memory_space<vmem>>, vector<16xf32>,
      %get3A_169 = arith.index_cast %select_n3A_71 : i32 to index
      %get3A_170 = tpu.vector_load %arg5[%get3A_169] {strides = array<i32>} : memref<16384xf32, #tpu.memory_space<vmem>>, vector<16xf32>,
      %get3A_171 = arith.index_cast %select_n3A_83 : i32 to index
      %get3A_172 = tpu.vector_load %arg5[%get3A_171] {strides = array<i32>} : memref<16384xf32, #tpu.memory_space<vmem>>, vector<16xf32>,
      %get3A_173 = arith.index_cast %select_n3A_95 : i32 to index
      %get3A_174 = tpu.vector_load %arg5[%get3A_173] {strides = array<i32>} : memref<16384xf32, #tpu.memory_space<vmem>>, vector<16xf32>,
      %get3A_175 = arith.index_cast %select_n3A_107 : i32 to index
      %get3A_176 = tpu.vector_load %arg5[%get3A_175] {strides = array<i32>} : memref<16384xf32, #tpu.memory_space<vmem>>, vector<16xf32>,
      %get3A_177 = arith.index_cast %select_n3A_119 : i32 to index
      %get3A_178 = tpu.vector_load %arg5[%get3A_177] {strides = array<i32>} : memref<16384xf32, #tpu.memory_space<vmem>>, vector<16xf32>,
      %get3A_179 = arith.index_cast %select_n3A_131 : i32 to index
      %get3A_180 = tpu.vector_load %arg5[%get3A_179] {strides = array<i32>} : memref<16384xf32, #tpu.memory_space<vmem>>, vector<16xf32>,
      %get3A_181 = arith.index_cast %select_n3A_143 : i32 to index
      %get3A_182 = tpu.vector_load %arg5[%get3A_181] {strides = array<i32>} : memref<16384xf32, #tpu.memory_space<vmem>>, vector<16xf32>,
      %get3A_183 = arith.index_cast %select_n3A_155 : i32 to index
      %get3A_184 = tpu.vector_load %arg5[%get3A_183] {strides = array<i32>} : memref<16384xf32, #tpu.memory_space<vmem>>, vector<16xf32>,
      %get3A_185 = arith.index_cast %select_n3A_167 : i32 to index
      %get3A_186 = tpu.vector_load %arg5[%get3A_185] {strides = array<i32>} : memref<16384xf32, #tpu.memory_space<vmem>>, vector<16xf32>,
      %max3A = arith.maximumf %get3A_168, %get3A_170 : vector<16xf32>
      %max3A_187 = arith.maximumf %get3A_172, %get3A_174 : vector<16xf32>
      %max3A_188 = arith.maximumf %get3A_176, %get3A_178 : vector<16xf32>
      %max3A_189 = arith.maximumf %get3A_180, %get3A_182 : vector<16xf32>
      %max3A_190 = arith.maximumf %get3A_184, %get3A_186 : vector<16xf32>
      %max3A_191 = arith.maximumf %max3A, %max3A_187 : vector<16xf32>
      %max3A_192 = arith.maximumf %max3A_188, %max3A_189 : vector<16xf32>
      %max3A_193 = arith.maximumf %max3A_191, %max3A_192 : vector<16xf32>
      %max3A_194 = arith.maximumf %max3A_193, %max3A_190 : vector<16xf32>
      %sub3A_195 = arith.constant 1 : i32
      %sub3A_196 = arith.subi %add3A_49, %sub3A_195 : i32
      %mul3A_197 = arith.constant 16 : i32
      %mul3A_198 = arith.muli %sub3A_196, %mul3A_197 : i32
      %get3A_199 = arith.index_cast %mul3A_198 : i32 to index
      %get3A_200 = tpu.vector_load %arg7[%get3A_199] {strides = array<i32>} : memref<16352xf32, #tpu.memory_space<vmem>>, vector<16xf32>,
      %abs3A = math.absf %get3A_200 : vector<16xf32>
      %add3A_201 = arith.addf %max3A_194, %abs3A : vector<16xf32>
      %mul3A_202 = arith.constant 16 : i32
      %mul3A_203 = arith.muli %add3A_49, %mul3A_202 : i32
      %swap3A_204 = arith.index_cast %mul3A_203 : i32 to index
      %swap3A_205 = tpu.vector_load %arg5[%swap3A_204] {strides = array<i32>} : memref<16384xf32, #tpu.memory_space<vmem>>, vector<16xf32>,
      tpu.vector_store %arg5[%swap3A_204], %add3A_201 {strides = array<i32>} : memref<16384xf32, #tpu.memory_space<vmem>>, vector<16xf32>,
      %min3A = arith.constant 1.000000e+00 : f32
      %min3A_206 = vector.broadcast %min3A : f32 to vector<16xf32>
      %min3A_207 = arith.minimumf %add3A_201, %min3A_206 : vector<16xf32>
      %bitcast3A = vector.bitcast %min3A_207 : vector<16xf32> to vector<16xi32>
      %broadcast_in_dim3A_208 = arith.constant 16 : i32
      %broadcast_in_dim3A_209 = vector.broadcast %broadcast_in_dim3A_208 : i32 to vector<16xi32>
      %shift_right_logical3A_210 = arith.shrui %bitcast3A, %broadcast_in_dim3A_209 : vector<16xi32>
      %broadcast_in_dim3A_211 = arith.constant 1 : i32
      %broadcast_in_dim3A_212 = vector.broadcast %broadcast_in_dim3A_211 : i32 to vector<16xi32>
      %and3A_213 = arith.andi %shift_right_logical3A_210, %broadcast_in_dim3A_212 : vector<16xi32>
      %add3A_214 = arith.addi %bitcast3A, %and3A_213 : vector<16xi32>
      %broadcast_in_dim3A_215 = arith.constant 32767 : i32
      %broadcast_in_dim3A_216 = vector.broadcast %broadcast_in_dim3A_215 : i32 to vector<16xi32>
      %add3A_217 = arith.addi %add3A_214, %broadcast_in_dim3A_216 : vector<16xi32>
      %broadcast_in_dim3A_218 = arith.constant -65536 : i32
      %broadcast_in_dim3A_219 = vector.broadcast %broadcast_in_dim3A_218 : i32 to vector<16xi32>
      %and3A_220 = arith.andi %add3A_217, %broadcast_in_dim3A_219 : vector<16xi32>
      %bitcast3A_221 = vector.bitcast %and3A_220 : vector<16xi32> to vector<16xf32>
      %mul3A_222 = arith.constant 16 : i32
      %mul3A_223 = arith.muli %add3A_49, %mul3A_222 : i32
      %swap3A_224 = arith.index_cast %mul3A_223 : i32 to index
      %swap3A_225 = tpu.vector_load %arg6[%swap3A_224] {strides = array<i32>} : memref<16384xf32, #tpu.memory_space<vmem>>, vector<16xf32>,
      tpu.vector_store %arg6[%swap3A_224], %bitcast3A_221 {strides = array<i32>} : memref<16384xf32, #tpu.memory_space<vmem>>, vector<16xf32>,
      %mul3A_226 = arith.constant 2 : i32
      %mul3A_227 = arith.muli %mul3A_226, %scan3A_45 : i32
      %add3A_228 = arith.constant 2 : i32
      %add3A_229 = arith.addi %mul3A_227, %add3A_228 : i32
      %shift_right_logical3A_230 = arith.constant 0 : i32
      %shift_right_logical3A_231 = arith.shrui %add3A_229, %shift_right_logical3A_230 : i32
      %rem3A_232 = arith.constant 2 : i32
      %rem3A_233 = arith.remsi %shift_right_logical3A_231, %rem3A_232 : i32
      %eq3A_234 = arith.constant 1 : i32
      %eq3A_235 = arith.cmpi eq, %rem3A_233, %eq3A_234 : i32
      %sub3A_236 = arith.constant 1 : i32
      %sub3A_237 = arith.subi %add3A_229, %sub3A_236 : i32
      %mul3A_238 = arith.constant 16 : i32
      %mul3A_239 = arith.muli %sub3A_237, %mul3A_238 : i32
      %jit3A_240 = arith.constant 0 : i32
      %select_n3A_241 = arith.select %eq3A_235, %mul3A_239, %jit3A_240 : i32
      %shift_right_logical3A_242 = arith.constant 1 : i32
      %shift_right_logical3A_243 = arith.shrui %add3A_229, %shift_right_logical3A_242 : i32
      %rem3A_244 = arith.constant 2 : i32
      %rem3A_245 = arith.remsi %shift_right_logical3A_243, %rem3A_244 : i32
      %eq3A_246 = arith.constant 1 : i32
      %eq3A_247 = arith.cmpi eq, %rem3A_245, %eq3A_246 : i32
      %sub3A_248 = arith.constant 2 : i32
      %sub3A_249 = arith.subi %add3A_229, %sub3A_248 : i32
      %mul3A_250 = arith.constant 16 : i32
      %mul3A_251 = arith.muli %sub3A_249, %mul3A_250 : i32
      %jit3A_252 = arith.constant 0 : i32
      %select_n3A_253 = arith.select %eq3A_247, %mul3A_251, %jit3A_252 : i32
      %shift_right_logical3A_254 = arith.constant 2 : i32
      %shift_right_logical3A_255 = arith.shrui %add3A_229, %shift_right_logical3A_254 : i32
      %rem3A_256 = arith.constant 2 : i32
      %rem3A_257 = arith.remsi %shift_right_logical3A_255, %rem3A_256 : i32
      %eq3A_258 = arith.constant 1 : i32
      %eq3A_259 = arith.cmpi eq, %rem3A_257, %eq3A_258 : i32
      %sub3A_260 = arith.constant 4 : i32
      %sub3A_261 = arith.subi %add3A_229, %sub3A_260 : i32
      %mul3A_262 = arith.constant 16 : i32
      %mul3A_263 = arith.muli %sub3A_261, %mul3A_262 : i32
      %jit3A_264 = arith.constant 0 : i32
      %select_n3A_265 = arith.select %eq3A_259, %mul3A_263, %jit3A_264 : i32
      %shift_right_logical3A_266 = arith.constant 3 : i32
      %shift_right_logical3A_267 = arith.shrui %add3A_229, %shift_right_logical3A_266 : i32
      %rem3A_268 = arith.constant 2 : i32
      %rem3A_269 = arith.remsi %shift_right_logical3A_267, %rem3A_268 : i32
      %eq3A_270 = arith.constant 1 : i32
      %eq3A_271 = arith.cmpi eq, %rem3A_269, %eq3A_270 : i32
      %sub3A_272 = arith.constant 8 : i32
      %sub3A_273 = arith.subi %add3A_229, %sub3A_272 : i32
      %mul3A_274 = arith.constant 16 : i32
      %mul3A_275 = arith.muli %sub3A_273, %mul3A_274 : i32
      %jit3A_276 = arith.constant 0 : i32
      %select_n3A_277 = arith.select %eq3A_271, %mul3A_275, %jit3A_276 : i32
      %shift_right_logical3A_278 = arith.constant 4 : i32
      %shift_right_logical3A_279 = arith.shrui %add3A_229, %shift_right_logical3A_278 : i32
      %rem3A_280 = arith.constant 2 : i32
      %rem3A_281 = arith.remsi %shift_right_logical3A_279, %rem3A_280 : i32
      %eq3A_282 = arith.constant 1 : i32
      %eq3A_283 = arith.cmpi eq, %rem3A_281, %eq3A_282 : i32
      %sub3A_284 = arith.constant 16 : i32
      %sub3A_285 = arith.subi %add3A_229, %sub3A_284 : i32
      %mul3A_286 = arith.constant 16 : i32
      %mul3A_287 = arith.muli %sub3A_285, %mul3A_286 : i32
      %jit3A_288 = arith.constant 0 : i32
      %select_n3A_289 = arith.select %eq3A_283, %mul3A_287, %jit3A_288 : i32
      %shift_right_logical3A_290 = arith.constant 5 : i32
      %shift_right_logical3A_291 = arith.shrui %add3A_229, %shift_right_logical3A_290 : i32
      %rem3A_292 = arith.constant 2 : i32
      %rem3A_293 = arith.remsi %shift_right_logical3A_291, %rem3A_292 : i32
      %eq3A_294 = arith.constant 1 : i32
      %eq3A_295 = arith.cmpi eq, %rem3A_293, %eq3A_294 : i32
      %sub3A_296 = arith.constant 32 : i32
      %sub3A_297 = arith.subi %add3A_229, %sub3A_296 : i32
      %mul3A_298 = arith.constant 16 : i32
      %mul3A_299 = arith.muli %sub3A_297, %mul3A_298 : i32
      %jit3A_300 = arith.constant 0 : i32
      %select_n3A_301 = arith.select %eq3A_295, %mul3A_299, %jit3A_300 : i32
      %shift_right_logical3A_302 = arith.constant 6 : i32
      %shift_right_logical3A_303 = arith.shrui %add3A_229, %shift_right_logical3A_302 : i32
      %rem3A_304 = arith.constant 2 : i32
      %rem3A_305 = arith.remsi %shift_right_logical3A_303, %rem3A_304 : i32
      %eq3A_306 = arith.constant 1 : i32
      %eq3A_307 = arith.cmpi eq, %rem3A_305, %eq3A_306 : i32
      %sub3A_308 = arith.constant 64 : i32
      %sub3A_309 = arith.subi %add3A_229, %sub3A_308 : i32
      %mul3A_310 = arith.constant 16 : i32
      %mul3A_311 = arith.muli %sub3A_309, %mul3A_310 : i32
      %jit3A_312 = arith.constant 0 : i32
      %select_n3A_313 = arith.select %eq3A_307, %mul3A_311, %jit3A_312 : i32
      %shift_right_logical3A_314 = arith.constant 7 : i32
      %shift_right_logical3A_315 = arith.shrui %add3A_229, %shift_right_logical3A_314 : i32
      %rem3A_316 = arith.constant 2 : i32
      %rem3A_317 = arith.remsi %shift_right_logical3A_315, %rem3A_316 : i32
      %eq3A_318 = arith.constant 1 : i32
      %eq3A_319 = arith.cmpi eq, %rem3A_317, %eq3A_318 : i32
      %sub3A_320 = arith.constant 128 : i32
      %sub3A_321 = arith.subi %add3A_229, %sub3A_320 : i32
      %mul3A_322 = arith.constant 16 : i32
      %mul3A_323 = arith.muli %sub3A_321, %mul3A_322 : i32
      %jit3A_324 = arith.constant 0 : i32
      %select_n3A_325 = arith.select %eq3A_319, %mul3A_323, %jit3A_324 : i32
      %shift_right_logical3A_326 = arith.constant 8 : i32
      %shift_right_logical3A_327 = arith.shrui %add3A_229, %shift_right_logical3A_326 : i32
      %rem3A_328 = arith.constant 2 : i32
      %rem3A_329 = arith.remsi %shift_right_logical3A_327, %rem3A_328 : i32
      %eq3A_330 = arith.constant 1 : i32
      %eq3A_331 = arith.cmpi eq, %rem3A_329, %eq3A_330 : i32
      %sub3A_332 = arith.constant 256 : i32
      %sub3A_333 = arith.subi %add3A_229, %sub3A_332 : i32
      %mul3A_334 = arith.constant 16 : i32
      %mul3A_335 = arith.muli %sub3A_333, %mul3A_334 : i32
      %jit3A_336 = arith.constant 0 : i32
      %select_n3A_337 = arith.select %eq3A_331, %mul3A_335, %jit3A_336 : i32
      %shift_right_logical3A_338 = arith.constant 9 : i32
      %shift_right_logical3A_339 = arith.shrui %add3A_229, %shift_right_logical3A_338 : i32
      %rem3A_340 = arith.constant 2 : i32
      %rem3A_341 = arith.remsi %shift_right_logical3A_339, %rem3A_340 : i32
      %eq3A_342 = arith.constant 1 : i32
      %eq3A_343 = arith.cmpi eq, %rem3A_341, %eq3A_342 : i32
      %sub3A_344 = arith.constant 512 : i32
      %sub3A_345 = arith.subi %add3A_229, %sub3A_344 : i32
      %mul3A_346 = arith.constant 16 : i32
      %mul3A_347 = arith.muli %sub3A_345, %mul3A_346 : i32
      %jit3A_348 = arith.constant 0 : i32
      %select_n3A_349 = arith.select %eq3A_343, %mul3A_347, %jit3A_348 : i32
      %get3A_350 = arith.index_cast %select_n3A_241 : i32 to index
      %get3A_351 = tpu.vector_load %arg5[%get3A_350] {strides = array<i32>} : memref<16384xf32, #tpu.memory_space<vmem>>, vector<16xf32>,
      %get3A_352 = arith.index_cast %select_n3A_253 : i32 to index
      %get3A_353 = tpu.vector_load %arg5[%get3A_352] {strides = array<i32>} : memref<16384xf32, #tpu.memory_space<vmem>>, vector<16xf32>,
      %get3A_354 = arith.index_cast %select_n3A_265 : i32 to index
      %get3A_355 = tpu.vector_load %arg5[%get3A_354] {strides = array<i32>} : memref<16384xf32, #tpu.memory_space<vmem>>, vector<16xf32>,
      %get3A_356 = arith.index_cast %select_n3A_277 : i32 to index
      %get3A_357 = tpu.vector_load %arg5[%get3A_356] {strides = array<i32>} : memref<16384xf32, #tpu.memory_space<vmem>>, vector<16xf32>,
      %get3A_358 = arith.index_cast %select_n3A_289 : i32 to index
      %get3A_359 = tpu.vector_load %arg5[%get3A_358] {strides = array<i32>} : memref<16384xf32, #tpu.memory_space<vmem>>, vector<16xf32>,
      %get3A_360 = arith.index_cast %select_n3A_301 : i32 to index
      %get3A_361 = tpu.vector_load %arg5[%get3A_360] {strides = array<i32>} : memref<16384xf32, #tpu.memory_space<vmem>>, vector<16xf32>,
      %get3A_362 = arith.index_cast %select_n3A_313 : i32 to index
      %get3A_363 = tpu.vector_load %arg5[%get3A_362] {strides = array<i32>} : memref<16384xf32, #tpu.memory_space<vmem>>, vector<16xf32>,
      %get3A_364 = arith.index_cast %select_n3A_325 : i32 to index
      %get3A_365 = tpu.vector_load %arg5[%get3A_364] {strides = array<i32>} : memref<16384xf32, #tpu.memory_space<vmem>>, vector<16xf32>,
      %get3A_366 = arith.index_cast %select_n3A_337 : i32 to index
      %get3A_367 = tpu.vector_load %arg5[%get3A_366] {strides = array<i32>} : memref<16384xf32, #tpu.memory_space<vmem>>, vector<16xf32>,
      %get3A_368 = arith.index_cast %select_n3A_349 : i32 to index
      %get3A_369 = tpu.vector_load %arg5[%get3A_368] {strides = array<i32>} : memref<16384xf32, #tpu.memory_space<vmem>>, vector<16xf32>,
      %max3A_370 = arith.maximumf %get3A_351, %get3A_353 : vector<16xf32>
      %max3A_371 = arith.maximumf %get3A_355, %get3A_357 : vector<16xf32>
      %max3A_372 = arith.maximumf %get3A_359, %get3A_361 : vector<16xf32>
      %max3A_373 = arith.maximumf %get3A_363, %get3A_365 : vector<16xf32>
      %max3A_374 = arith.maximumf %get3A_367, %get3A_369 : vector<16xf32>
      %max3A_375 = arith.maximumf %max3A_370, %max3A_371 : vector<16xf32>
      %max3A_376 = arith.maximumf %max3A_372, %max3A_373 : vector<16xf32>
      %max3A_377 = arith.maximumf %max3A_375, %max3A_376 : vector<16xf32>
      %max3A_378 = arith.maximumf %max3A_377, %max3A_374 : vector<16xf32>
      %sub3A_379 = arith.constant 1 : i32
      %sub3A_380 = arith.subi %add3A_229, %sub3A_379 : i32
      %mul3A_381 = arith.constant 16 : i32
      %mul3A_382 = arith.muli %sub3A_380, %mul3A_381 : i32
      %get3A_383 = arith.index_cast %mul3A_382 : i32 to index
      %get3A_384 = tpu.vector_load %arg7[%get3A_383] {strides = array<i32>} : memref<16352xf32, #tpu.memory_space<vmem>>, vector<16xf32>,
      %abs3A_385 = math.absf %get3A_384 : vector<16xf32>
      %add3A_386 = arith.addf %max3A_378, %abs3A_385 : vector<16xf32>
      %mul3A_387 = arith.constant 16 : i32
      %mul3A_388 = arith.muli %add3A_229, %mul3A_387 : i32
      %swap3A_389 = arith.index_cast %mul3A_388 : i32 to index
      %swap3A_390 = tpu.vector_load %arg5[%swap3A_389] {strides = array<i32>} : memref<16384xf32, #tpu.memory_space<vmem>>, vector<16xf32>,
      tpu.vector_store %arg5[%swap3A_389], %add3A_386 {strides = array<i32>} : memref<16384xf32, #tpu.memory_space<vmem>>, vector<16xf32>,
      %min3A_391 = arith.constant 1.000000e+00 : f32
      %min3A_392 = vector.broadcast %min3A_391 : f32 to vector<16xf32>
      %min3A_393 = arith.minimumf %add3A_386, %min3A_392 : vector<16xf32>
      %bitcast3A_394 = vector.bitcast %min3A_393 : vector<16xf32> to vector<16xi32>
      %broadcast_in_dim3A_395 = arith.constant 16 : i32
      %broadcast_in_dim3A_396 = vector.broadcast %broadcast_in_dim3A_395 : i32 to vector<16xi32>
      %shift_right_logical3A_397 = arith.shrui %bitcast3A_394, %broadcast_in_dim3A_396 : vector<16xi32>
      %broadcast_in_dim3A_398 = arith.constant 1 : i32
      %broadcast_in_dim3A_399 = vector.broadcast %broadcast_in_dim3A_398 : i32 to vector<16xi32>
      %and3A_400 = arith.andi %shift_right_logical3A_397, %broadcast_in_dim3A_399 : vector<16xi32>
      %add3A_401 = arith.addi %bitcast3A_394, %and3A_400 : vector<16xi32>
      %broadcast_in_dim3A_402 = arith.constant 32767 : i32
      %broadcast_in_dim3A_403 = vector.broadcast %broadcast_in_dim3A_402 : i32 to vector<16xi32>
      %add3A_404 = arith.addi %add3A_401, %broadcast_in_dim3A_403 : vector<16xi32>
      %broadcast_in_dim3A_405 = arith.constant -65536 : i32
      %broadcast_in_dim3A_406 = vector.broadcast %broadcast_in_dim3A_405 : i32 to vector<16xi32>
      %and3A_407 = arith.andi %add3A_404, %broadcast_in_dim3A_406 : vector<16xi32>
      %bitcast3A_408 = vector.bitcast %and3A_407 : vector<16xi32> to vector<16xf32>
      %mul3A_409 = arith.constant 16 : i32
      %mul3A_410 = arith.muli %add3A_229, %mul3A_409 : i32
      %swap3A_411 = arith.index_cast %mul3A_410 : i32 to index
      %swap3A_412 = tpu.vector_load %arg6[%swap3A_411] {strides = array<i32>} : memref<16384xf32, #tpu.memory_space<vmem>>, vector<16xf32>,
      tpu.vector_store %arg6[%swap3A_411], %bitcast3A_408 {strides = array<i32>} : memref<16384xf32, #tpu.memory_space<vmem>>, vector<16xf32>,
    }
    %scan3A_36 = arith.constant 511 : i32
    %dma_wait3A = tpu.memref_slice %arg2[%mul3A_22] : memref<163840xf32, #tpu.memory_space<hbm>> -> memref<20480xf32, #tpu.memory_space<hbm>>
    %dma_wait3A_37 = tpu.memref_slice %arg2[%mul3A_22] : memref<163840xf32, #tpu.memory_space<hbm>> -> memref<20480xf32, #tpu.memory_space<hbm>>
    tpu.wait_dma2 semaphore(%arg10 : memref<!tpu.dma_semaphore, #tpu.memory_space<semaphore_mem>>) src(%dma_wait3A_37 : memref<20480xf32, #tpu.memory_space<hbm>>) dst(%arg8 : memref<20480xf32, #tpu.memory_space<vmem>>)
    %mul3A_38 = arith.constant 10 : i32
    %mul3A_39 = vector.broadcast %mul3A_38 : i32 to vector<16xi32>
    %mul3A_40 = arith.muli %iota3A, %mul3A_39 : vector<16xi32>
    %parallel_loop3A = arith.constant 0 : i32
    %parallel_loop3A_41 = arith.constant 128 : i32
    %parallel_loop3A_42 = arith.constant 1 : i32
    scf.for %parallel_loop3A_45 = %parallel_loop3A to %parallel_loop3A_41 step %parallel_loop3A_42  : i32 {
      %parallel_loop3A_46 = arith.constant 16 : i32
      %parallel_loop3A_47 = arith.muli %parallel_loop3A_45, %parallel_loop3A_46 : i32
      %parallel_loop3A_48 = vector.broadcast %parallel_loop3A_47 : i32 to vector<16xi32>
      %parallel_loop3A_49 = arith.addi %iota3A, %parallel_loop3A_48 : vector<16xi32>
      %parallel_loop3A_50 = arith.constant 160 : i32
      %parallel_loop3A_51 = arith.muli %parallel_loop3A_45, %parallel_loop3A_50 : i32
      %parallel_loop3A_52 = vector.broadcast %parallel_loop3A_51 : i32 to vector<16xi32>
      %parallel_loop3A_53 = arith.addi %mul3A_40, %parallel_loop3A_52 : vector<16xi32>
      %parallel_loop3A_54 = arith.constant 0 : i32
      %parallel_loop3A_55 = vector.broadcast %parallel_loop3A_54 : i32 to vector<16xi32>
      %parallel_loop3A_56 = arith.addi %parallel_loop3A_53, %parallel_loop3A_55 : vector<16xi32>
      %parallel_loop3A_57 = tpu.vector_load_idx %arg8[%parallel_loop3A_56] : memref<20480xf32, #tpu.memory_space<vmem>>[vector<16xi32>], vector<16xf32>,
      %parallel_loop3A_58 = arith.constant 1 : i32
      %parallel_loop3A_59 = vector.broadcast %parallel_loop3A_58 : i32 to vector<16xi32>
      %parallel_loop3A_60 = arith.addi %parallel_loop3A_53, %parallel_loop3A_59 : vector<16xi32>
      %parallel_loop3A_61 = tpu.vector_load_idx %arg8[%parallel_loop3A_60] : memref<20480xf32, #tpu.memory_space<vmem>>[vector<16xi32>], vector<16xf32>,
      %parallel_loop3A_62 = arith.constant 2 : i32
      %parallel_loop3A_63 = vector.broadcast %parallel_loop3A_62 : i32 to vector<16xi32>
      %parallel_loop3A_64 = arith.addi %parallel_loop3A_53, %parallel_loop3A_63 : vector<16xi32>
      %parallel_loop3A_65 = tpu.vector_load_idx %arg8[%parallel_loop3A_64] : memref<20480xf32, #tpu.memory_space<vmem>>[vector<16xi32>], vector<16xf32>,
      %parallel_loop3A_66 = arith.constant 3 : i32
      %parallel_loop3A_67 = vector.broadcast %parallel_loop3A_66 : i32 to vector<16xi32>
      %parallel_loop3A_68 = arith.addi %parallel_loop3A_53, %parallel_loop3A_67 : vector<16xi32>
      %parallel_loop3A_69 = tpu.vector_load_idx %arg8[%parallel_loop3A_68] : memref<20480xf32, #tpu.memory_space<vmem>>[vector<16xi32>], vector<16xf32>,
      %parallel_loop3A_70 = arith.constant 4 : i32
      %parallel_loop3A_71 = vector.broadcast %parallel_loop3A_70 : i32 to vector<16xi32>
      %parallel_loop3A_72 = arith.addi %parallel_loop3A_53, %parallel_loop3A_71 : vector<16xi32>
      %parallel_loop3A_73 = tpu.vector_load_idx %arg8[%parallel_loop3A_72] : memref<20480xf32, #tpu.memory_space<vmem>>[vector<16xi32>], vector<16xf32>,
      %parallel_loop3A_74 = arith.constant 5 : i32
      %parallel_loop3A_75 = vector.broadcast %parallel_loop3A_74 : i32 to vector<16xi32>
      %parallel_loop3A_76 = arith.addi %parallel_loop3A_53, %parallel_loop3A_75 : vector<16xi32>
      %parallel_loop3A_77 = tpu.vector_load_idx %arg8[%parallel_loop3A_76] : memref<20480xf32, #tpu.memory_space<vmem>>[vector<16xi32>], vector<16xf32>,
      %parallel_loop3A_78 = arith.constant 6 : i32
      %parallel_loop3A_79 = vector.broadcast %parallel_loop3A_78 : i32 to vector<16xi32>
      %parallel_loop3A_80 = arith.addi %parallel_loop3A_53, %parallel_loop3A_79 : vector<16xi32>
      %parallel_loop3A_81 = tpu.vector_load_idx %arg8[%parallel_loop3A_80] : memref<20480xf32, #tpu.memory_space<vmem>>[vector<16xi32>], vector<16xf32>,
      %parallel_loop3A_82 = arith.constant 7 : i32
      %parallel_loop3A_83 = vector.broadcast %parallel_loop3A_82 : i32 to vector<16xi32>
      %parallel_loop3A_84 = arith.addi %parallel_loop3A_53, %parallel_loop3A_83 : vector<16xi32>
      %parallel_loop3A_85 = tpu.vector_load_idx %arg8[%parallel_loop3A_84] : memref<20480xf32, #tpu.memory_space<vmem>>[vector<16xi32>], vector<16xf32>,
      %parallel_loop3A_86 = arith.constant 8 : i32
      %parallel_loop3A_87 = vector.broadcast %parallel_loop3A_86 : i32 to vector<16xi32>
      %parallel_loop3A_88 = arith.addi %parallel_loop3A_53, %parallel_loop3A_87 : vector<16xi32>
      %parallel_loop3A_89 = tpu.vector_load_idx %arg8[%parallel_loop3A_88] : memref<20480xf32, #tpu.memory_space<vmem>>[vector<16xi32>], vector<16xf32>,
      %parallel_loop3A_90 = arith.constant 9 : i32
      %parallel_loop3A_91 = vector.broadcast %parallel_loop3A_90 : i32 to vector<16xi32>
      %parallel_loop3A_92 = arith.addi %parallel_loop3A_53, %parallel_loop3A_91 : vector<16xi32>
      %parallel_loop3A_93 = tpu.vector_load_idx %arg8[%parallel_loop3A_92] : memref<20480xf32, #tpu.memory_space<vmem>>[vector<16xi32>], vector<16xf32>,
      %parallel_loop3A_94 = arith.constant 1 : i32
      %parallel_loop3A_95 = vector.broadcast %parallel_loop3A_94 : i32 to vector<16xi32>
      %parallel_loop3A_96 = arith.constant 2 : i32
      %parallel_loop3A_97 = vector.broadcast %parallel_loop3A_96 : i32 to vector<16xi32>
      %parallel_loop3A_98 = arith.constant 4 : i32
      %parallel_loop3A_99 = vector.broadcast %parallel_loop3A_98 : i32 to vector<16xi32>
      %parallel_loop3A_100 = arith.constant 8 : i32
      %parallel_loop3A_101 = vector.broadcast %parallel_loop3A_100 : i32 to vector<16xi32>
      %parallel_loop3A_102 = arith.constant 16 : i32
      %parallel_loop3A_103 = vector.broadcast %parallel_loop3A_102 : i32 to vector<16xi32>
      %parallel_loop3A_104 = arith.constant 32 : i32
      %parallel_loop3A_105 = vector.broadcast %parallel_loop3A_104 : i32 to vector<16xi32>
      %parallel_loop3A_106 = arith.constant 64 : i32
      %parallel_loop3A_107 = vector.broadcast %parallel_loop3A_106 : i32 to vector<16xi32>
      %parallel_loop3A_108 = arith.constant 128 : i32
      %parallel_loop3A_109 = vector.broadcast %parallel_loop3A_108 : i32 to vector<16xi32>
      %parallel_loop3A_110 = arith.constant 256 : i32
      %parallel_loop3A_111 = vector.broadcast %parallel_loop3A_110 : i32 to vector<16xi32>
      %parallel_loop3A_112 = arith.constant 512 : i32
      %parallel_loop3A_113 = vector.broadcast %parallel_loop3A_112 : i32 to vector<16xi32>
      %parallel_loop3A_114 = arith.cmpf olt, %parallel_loop3A_57, %parallel_loop3A_61 : vector<16xf32>
      %parallel_loop3A_115 = arith.maximumf %parallel_loop3A_57, %parallel_loop3A_61 : vector<16xf32>
      %parallel_loop3A_116 = arith.minimumf %parallel_loop3A_57, %parallel_loop3A_61 : vector<16xf32>
      %parallel_loop3A_117 = arith.select %parallel_loop3A_114, %parallel_loop3A_97, %parallel_loop3A_95 : vector<16xi1>, vector<16xi32>
      %parallel_loop3A_118 = arith.select %parallel_loop3A_114, %parallel_loop3A_95, %parallel_loop3A_97 : vector<16xi1>, vector<16xi32>
      %parallel_loop3A_119 = arith.cmpf olt, %parallel_loop3A_65, %parallel_loop3A_69 : vector<16xf32>
      %parallel_loop3A_120 = arith.maximumf %parallel_loop3A_65, %parallel_loop3A_69 : vector<16xf32>
      %parallel_loop3A_121 = arith.minimumf %parallel_loop3A_65, %parallel_loop3A_69 : vector<16xf32>
      %parallel_loop3A_122 = arith.select %parallel_loop3A_119, %parallel_loop3A_101, %parallel_loop3A_99 : vector<16xi1>, vector<16xi32>
      %parallel_loop3A_123 = arith.select %parallel_loop3A_119, %parallel_loop3A_99, %parallel_loop3A_101 : vector<16xi1>, vector<16xi32>
      %parallel_loop3A_124 = arith.cmpf olt, %parallel_loop3A_115, %parallel_loop3A_120 : vector<16xf32>
      %parallel_loop3A_125 = arith.maximumf %parallel_loop3A_115, %parallel_loop3A_120 : vector<16xf32>
      %parallel_loop3A_126 = arith.minimumf %parallel_loop3A_115, %parallel_loop3A_120 : vector<16xf32>
      %parallel_loop3A_127 = arith.select %parallel_loop3A_124, %parallel_loop3A_122, %parallel_loop3A_117 : vector<16xi1>, vector<16xi32>
      %parallel_loop3A_128 = arith.select %parallel_loop3A_124, %parallel_loop3A_117, %parallel_loop3A_122 : vector<16xi1>, vector<16xi32>
      %parallel_loop3A_129 = arith.cmpf olt, %parallel_loop3A_116, %parallel_loop3A_121 : vector<16xf32>
      %parallel_loop3A_130 = arith.maximumf %parallel_loop3A_116, %parallel_loop3A_121 : vector<16xf32>
      %parallel_loop3A_131 = arith.minimumf %parallel_loop3A_116, %parallel_loop3A_121 : vector<16xf32>
      %parallel_loop3A_132 = arith.select %parallel_loop3A_129, %parallel_loop3A_123, %parallel_loop3A_118 : vector<16xi1>, vector<16xi32>
      %parallel_loop3A_133 = arith.select %parallel_loop3A_129, %parallel_loop3A_118, %parallel_loop3A_123 : vector<16xi1>, vector<16xi32>
      %parallel_loop3A_134 = arith.cmpf olt, %parallel_loop3A_130, %parallel_loop3A_126 : vector<16xf32>
      %parallel_loop3A_135 = arith.maximumf %parallel_loop3A_130, %parallel_loop3A_126 : vector<16xf32>
      %parallel_loop3A_136 = arith.minimumf %parallel_loop3A_130, %parallel_loop3A_126 : vector<16xf32>
      %parallel_loop3A_137 = arith.select %parallel_loop3A_134, %parallel_loop3A_128, %parallel_loop3A_132 : vector<16xi1>, vector<16xi32>
      %parallel_loop3A_138 = arith.select %parallel_loop3A_134, %parallel_loop3A_132, %parallel_loop3A_128 : vector<16xi1>, vector<16xi32>
      %parallel_loop3A_139 = arith.cmpf olt, %parallel_loop3A_73, %parallel_loop3A_77 : vector<16xf32>
      %parallel_loop3A_140 = arith.maximumf %parallel_loop3A_73, %parallel_loop3A_77 : vector<16xf32>
      %parallel_loop3A_141 = arith.minimumf %parallel_loop3A_73, %parallel_loop3A_77 : vector<16xf32>
      %parallel_loop3A_142 = arith.select %parallel_loop3A_139, %parallel_loop3A_105, %parallel_loop3A_103 : vector<16xi1>, vector<16xi32>
      %parallel_loop3A_143 = arith.select %parallel_loop3A_139, %parallel_loop3A_103, %parallel_loop3A_105 : vector<16xi1>, vector<16xi32>
      %parallel_loop3A_144 = arith.cmpf olt, %parallel_loop3A_81, %parallel_loop3A_85 : vector<16xf32>
      %parallel_loop3A_145 = arith.maximumf %parallel_loop3A_81, %parallel_loop3A_85 : vector<16xf32>
      %parallel_loop3A_146 = arith.minimumf %parallel_loop3A_81, %parallel_loop3A_85 : vector<16xf32>
      %parallel_loop3A_147 = arith.select %parallel_loop3A_144, %parallel_loop3A_109, %parallel_loop3A_107 : vector<16xi1>, vector<16xi32>
      %parallel_loop3A_148 = arith.select %parallel_loop3A_144, %parallel_loop3A_107, %parallel_loop3A_109 : vector<16xi1>, vector<16xi32>
      %parallel_loop3A_149 = arith.cmpf olt, %parallel_loop3A_140, %parallel_loop3A_145 : vector<16xf32>
      %parallel_loop3A_150 = arith.maximumf %parallel_loop3A_140, %parallel_loop3A_145 : vector<16xf32>
      %parallel_loop3A_151 = arith.minimumf %parallel_loop3A_140, %parallel_loop3A_145 : vector<16xf32>
      %parallel_loop3A_152 = arith.select %parallel_loop3A_149, %parallel_loop3A_147, %parallel_loop3A_142 : vector<16xi1>, vector<16xi32>
      %parallel_loop3A_153 = arith.select %parallel_loop3A_149, %parallel_loop3A_142, %parallel_loop3A_147 : vector<16xi1>, vector<16xi32>
      %parallel_loop3A_154 = arith.cmpf olt, %parallel_loop3A_141, %parallel_loop3A_146 : vector<16xf32>
      %parallel_loop3A_155 = arith.maximumf %parallel_loop3A_141, %parallel_loop3A_146 : vector<16xf32>
      %parallel_loop3A_156 = arith.minimumf %parallel_loop3A_141, %parallel_loop3A_146 : vector<16xf32>
      %parallel_loop3A_157 = arith.select %parallel_loop3A_154, %parallel_loop3A_148, %parallel_loop3A_143 : vector<16xi1>, vector<16xi32>
      %parallel_loop3A_158 = arith.select %parallel_loop3A_154, %parallel_loop3A_143, %parallel_loop3A_148 : vector<16xi1>, vector<16xi32>
      %parallel_loop3A_159 = arith.cmpf olt, %parallel_loop3A_155, %parallel_loop3A_151 : vector<16xf32>
      %parallel_loop3A_160 = arith.maximumf %parallel_loop3A_155, %parallel_loop3A_151 : vector<16xf32>
      %parallel_loop3A_161 = arith.minimumf %parallel_loop3A_155, %parallel_loop3A_151 : vector<16xf32>
      %parallel_loop3A_162 = arith.select %parallel_loop3A_159, %parallel_loop3A_153, %parallel_loop3A_157 : vector<16xi1>, vector<16xi32>
      %parallel_loop3A_163 = arith.select %parallel_loop3A_159, %parallel_loop3A_157, %parallel_loop3A_153 : vector<16xi1>, vector<16xi32>
      %parallel_loop3A_164 = arith.cmpf olt, %parallel_loop3A_125, %parallel_loop3A_150 : vector<16xf32>
      %parallel_loop3A_165 = arith.maximumf %parallel_loop3A_125, %parallel_loop3A_150 : vector<16xf32>
      %parallel_loop3A_166 = arith.minimumf %parallel_loop3A_125, %parallel_loop3A_150 : vector<16xf32>
      %parallel_loop3A_167 = arith.select %parallel_loop3A_164, %parallel_loop3A_152, %parallel_loop3A_127 : vector<16xi1>, vector<16xi32>
      %parallel_loop3A_168 = arith.select %parallel_loop3A_164, %parallel_loop3A_127, %parallel_loop3A_152 : vector<16xi1>, vector<16xi32>
      %parallel_loop3A_169 = arith.cmpf olt, %parallel_loop3A_136, %parallel_loop3A_161 : vector<16xf32>
      %parallel_loop3A_170 = arith.maximumf %parallel_loop3A_136, %parallel_loop3A_161 : vector<16xf32>
      %parallel_loop3A_171 = arith.minimumf %parallel_loop3A_136, %parallel_loop3A_161 : vector<16xf32>
      %parallel_loop3A_172 = arith.select %parallel_loop3A_169, %parallel_loop3A_163, %parallel_loop3A_138 : vector<16xi1>, vector<16xi32>
      %parallel_loop3A_173 = arith.select %parallel_loop3A_169, %parallel_loop3A_138, %parallel_loop3A_163 : vector<16xi1>, vector<16xi32>
      %parallel_loop3A_174 = arith.cmpf olt, %parallel_loop3A_170, %parallel_loop3A_166 : vector<16xf32>
      %parallel_loop3A_175 = arith.maximumf %parallel_loop3A_170, %parallel_loop3A_166 : vector<16xf32>
      %parallel_loop3A_176 = arith.minimumf %parallel_loop3A_170, %parallel_loop3A_166 : vector<16xf32>
      %parallel_loop3A_177 = arith.select %parallel_loop3A_174, %parallel_loop3A_168, %parallel_loop3A_172 : vector<16xi1>, vector<16xi32>
      %parallel_loop3A_178 = arith.select %parallel_loop3A_174, %parallel_loop3A_172, %parallel_loop3A_168 : vector<16xi1>, vector<16xi32>
      %parallel_loop3A_179 = arith.cmpf olt, %parallel_loop3A_135, %parallel_loop3A_160 : vector<16xf32>
      %parallel_loop3A_180 = arith.maximumf %parallel_loop3A_135, %parallel_loop3A_160 : vector<16xf32>
      %parallel_loop3A_181 = arith.minimumf %parallel_loop3A_135, %parallel_loop3A_160 : vector<16xf32>
      %parallel_loop3A_182 = arith.select %parallel_loop3A_179, %parallel_loop3A_162, %parallel_loop3A_137 : vector<16xi1>, vector<16xi32>
      %parallel_loop3A_183 = arith.select %parallel_loop3A_179, %parallel_loop3A_137, %parallel_loop3A_162 : vector<16xi1>, vector<16xi32>
      %parallel_loop3A_184 = arith.cmpf olt, %parallel_loop3A_131, %parallel_loop3A_156 : vector<16xf32>
      %parallel_loop3A_185 = arith.maximumf %parallel_loop3A_131, %parallel_loop3A_156 : vector<16xf32>
      %parallel_loop3A_186 = arith.minimumf %parallel_loop3A_131, %parallel_loop3A_156 : vector<16xf32>
      %parallel_loop3A_187 = arith.select %parallel_loop3A_184, %parallel_loop3A_158, %parallel_loop3A_133 : vector<16xi1>, vector<16xi32>
      %parallel_loop3A_188 = arith.select %parallel_loop3A_184, %parallel_loop3A_133, %parallel_loop3A_158 : vector<16xi1>, vector<16xi32>
      %parallel_loop3A_189 = arith.cmpf olt, %parallel_loop3A_185, %parallel_loop3A_181 : vector<16xf32>
      %parallel_loop3A_190 = arith.maximumf %parallel_loop3A_185, %parallel_loop3A_181 : vector<16xf32>
      %parallel_loop3A_191 = arith.minimumf %parallel_loop3A_185, %parallel_loop3A_181 : vector<16xf32>
      %parallel_loop3A_192 = arith.select %parallel_loop3A_189, %parallel_loop3A_183, %parallel_loop3A_187 : vector<16xi1>, vector<16xi32>
      %parallel_loop3A_193 = arith.select %parallel_loop3A_189, %parallel_loop3A_187, %parallel_loop3A_183 : vector<16xi1>, vector<16xi32>
      %parallel_loop3A_194 = arith.cmpf olt, %parallel_loop3A_180, %parallel_loop3A_175 : vector<16xf32>
      %parallel_loop3A_195 = arith.maximumf %parallel_loop3A_180, %parallel_loop3A_175 : vector<16xf32>
      %parallel_loop3A_196 = arith.minimumf %parallel_loop3A_180, %parallel_loop3A_175 : vector<16xf32>
      %parallel_loop3A_197 = arith.select %parallel_loop3A_194, %parallel_loop3A_177, %parallel_loop3A_182 : vector<16xi1>, vector<16xi32>
      %parallel_loop3A_198 = arith.select %parallel_loop3A_194, %parallel_loop3A_182, %parallel_loop3A_177 : vector<16xi1>, vector<16xi32>
      %parallel_loop3A_199 = arith.cmpf olt, %parallel_loop3A_190, %parallel_loop3A_176 : vector<16xf32>
      %parallel_loop3A_200 = arith.maximumf %parallel_loop3A_190, %parallel_loop3A_176 : vector<16xf32>
      %parallel_loop3A_201 = arith.minimumf %parallel_loop3A_190, %parallel_loop3A_176 : vector<16xf32>
      %parallel_loop3A_202 = arith.select %parallel_loop3A_199, %parallel_loop3A_178, %parallel_loop3A_192 : vector<16xi1>, vector<16xi32>
      %parallel_loop3A_203 = arith.select %parallel_loop3A_199, %parallel_loop3A_192, %parallel_loop3A_178 : vector<16xi1>, vector<16xi32>
      %parallel_loop3A_204 = arith.cmpf olt, %parallel_loop3A_191, %parallel_loop3A_171 : vector<16xf32>
      %parallel_loop3A_205 = arith.maximumf %parallel_loop3A_191, %parallel_loop3A_171 : vector<16xf32>
      %parallel_loop3A_206 = arith.minimumf %parallel_loop3A_191, %parallel_loop3A_171 : vector<16xf32>
      %parallel_loop3A_207 = arith.select %parallel_loop3A_204, %parallel_loop3A_173, %parallel_loop3A_193 : vector<16xi1>, vector<16xi32>
      %parallel_loop3A_208 = arith.select %parallel_loop3A_204, %parallel_loop3A_193, %parallel_loop3A_173 : vector<16xi1>, vector<16xi32>
      %parallel_loop3A_209 = arith.cmpf olt, %parallel_loop3A_89, %parallel_loop3A_93 : vector<16xf32>
      %parallel_loop3A_210 = arith.maximumf %parallel_loop3A_89, %parallel_loop3A_93 : vector<16xf32>
      %parallel_loop3A_211 = arith.minimumf %parallel_loop3A_89, %parallel_loop3A_93 : vector<16xf32>
      %parallel_loop3A_212 = arith.select %parallel_loop3A_209, %parallel_loop3A_113, %parallel_loop3A_111 : vector<16xi1>, vector<16xi32>
      %parallel_loop3A_213 = arith.select %parallel_loop3A_209, %parallel_loop3A_111, %parallel_loop3A_113 : vector<16xi1>, vector<16xi32>
      %parallel_loop3A_214 = arith.cmpf olt, %parallel_loop3A_165, %parallel_loop3A_210 : vector<16xf32>
      %parallel_loop3A_215 = arith.maximumf %parallel_loop3A_165, %parallel_loop3A_210 : vector<16xf32>
      %parallel_loop3A_216 = arith.minimumf %parallel_loop3A_165, %parallel_loop3A_210 : vector<16xf32>
      %parallel_loop3A_217 = arith.select %parallel_loop3A_214, %parallel_loop3A_212, %parallel_loop3A_167 : vector<16xi1>, vector<16xi32>
      %parallel_loop3A_218 = arith.select %parallel_loop3A_214, %parallel_loop3A_167, %parallel_loop3A_212 : vector<16xi1>, vector<16xi32>
      %parallel_loop3A_219 = arith.cmpf olt, %parallel_loop3A_201, %parallel_loop3A_216 : vector<16xf32>
      %parallel_loop3A_220 = arith.maximumf %parallel_loop3A_201, %parallel_loop3A_216 : vector<16xf32>
      %parallel_loop3A_221 = arith.minimumf %parallel_loop3A_201, %parallel_loop3A_216 : vector<16xf32>
      %parallel_loop3A_222 = arith.select %parallel_loop3A_219, %parallel_loop3A_218, %parallel_loop3A_203 : vector<16xi1>, vector<16xi32>
      %parallel_loop3A_223 = arith.select %parallel_loop3A_219, %parallel_loop3A_203, %parallel_loop3A_218 : vector<16xi1>, vector<16xi32>
      %parallel_loop3A_224 = arith.cmpf olt, %parallel_loop3A_196, %parallel_loop3A_220 : vector<16xf32>
      %parallel_loop3A_225 = arith.maximumf %parallel_loop3A_196, %parallel_loop3A_220 : vector<16xf32>
      %parallel_loop3A_226 = arith.minimumf %parallel_loop3A_196, %parallel_loop3A_220 : vector<16xf32>
      %parallel_loop3A_227 = arith.select %parallel_loop3A_224, %parallel_loop3A_222, %parallel_loop3A_198 : vector<16xi1>, vector<16xi32>
      %parallel_loop3A_228 = arith.select %parallel_loop3A_224, %parallel_loop3A_198, %parallel_loop3A_222 : vector<16xi1>, vector<16xi32>
      %parallel_loop3A_229 = arith.cmpf olt, %parallel_loop3A_206, %parallel_loop3A_221 : vector<16xf32>
      %parallel_loop3A_230 = arith.maximumf %parallel_loop3A_206, %parallel_loop3A_221 : vector<16xf32>
      %parallel_loop3A_231 = arith.minimumf %parallel_loop3A_206, %parallel_loop3A_221 : vector<16xf32>
      %parallel_loop3A_232 = arith.select %parallel_loop3A_229, %parallel_loop3A_223, %parallel_loop3A_208 : vector<16xi1>, vector<16xi32>
      %parallel_loop3A_233 = arith.select %parallel_loop3A_229, %parallel_loop3A_208, %parallel_loop3A_223 : vector<16xi1>, vector<16xi32>
      %parallel_loop3A_234 = arith.cmpf olt, %parallel_loop3A_195, %parallel_loop3A_211 : vector<16xf32>
      %parallel_loop3A_235 = arith.maximumf %parallel_loop3A_195, %parallel_loop3A_211 : vector<16xf32>
      %parallel_loop3A_236 = arith.minimumf %parallel_loop3A_195, %parallel_loop3A_211 : vector<16xf32>
      %parallel_loop3A_237 = arith.select %parallel_loop3A_234, %parallel_loop3A_213, %parallel_loop3A_197 : vector<16xi1>, vector<16xi32>
      %parallel_loop3A_238 = arith.select %parallel_loop3A_234, %parallel_loop3A_197, %parallel_loop3A_213 : vector<16xi1>, vector<16xi32>
      %parallel_loop3A_239 = arith.cmpf olt, %parallel_loop3A_205, %parallel_loop3A_236 : vector<16xf32>
      %parallel_loop3A_240 = arith.maximumf %parallel_loop3A_205, %parallel_loop3A_236 : vector<16xf32>
      %parallel_loop3A_241 = arith.minimumf %parallel_loop3A_205, %parallel_loop3A_236 : vector<16xf32>
      %parallel_loop3A_242 = arith.select %parallel_loop3A_239, %parallel_loop3A_238, %parallel_loop3A_207 : vector<16xi1>, vector<16xi32>
      %parallel_loop3A_243 = arith.select %parallel_loop3A_239, %parallel_loop3A_207, %parallel_loop3A_238 : vector<16xi1>, vector<16xi32>
      %parallel_loop3A_244 = arith.cmpf olt, %parallel_loop3A_200, %parallel_loop3A_240 : vector<16xf32>
      %parallel_loop3A_245 = arith.maximumf %parallel_loop3A_200, %parallel_loop3A_240 : vector<16xf32>
      %parallel_loop3A_246 = arith.minimumf %parallel_loop3A_200, %parallel_loop3A_240 : vector<16xf32>
      %parallel_loop3A_247 = arith.select %parallel_loop3A_244, %parallel_loop3A_242, %parallel_loop3A_202 : vector<16xi1>, vector<16xi32>
      %parallel_loop3A_248 = arith.select %parallel_loop3A_244, %parallel_loop3A_202, %parallel_loop3A_242 : vector<16xi1>, vector<16xi32>
      %parallel_loop3A_249 = arith.cmpf olt, %parallel_loop3A_186, %parallel_loop3A_241 : vector<16xf32>
      %parallel_loop3A_250 = arith.maximumf %parallel_loop3A_186, %parallel_loop3A_241 : vector<16xf32>
      %parallel_loop3A_251 = arith.minimumf %parallel_loop3A_186, %parallel_loop3A_241 : vector<16xf32>
      %parallel_loop3A_252 = arith.select %parallel_loop3A_249, %parallel_loop3A_243, %parallel_loop3A_188 : vector<16xi1>, vector<16xi32>
      %parallel_loop3A_253 = arith.select %parallel_loop3A_249, %parallel_loop3A_188, %parallel_loop3A_243 : vector<16xi1>, vector<16xi32>
      %parallel_loop3A_254 = arith.cmpf olt, %parallel_loop3A_235, %parallel_loop3A_225 : vector<16xf32>
      %parallel_loop3A_255 = arith.maximumf %parallel_loop3A_235, %parallel_loop3A_225 : vector<16xf32>
      %parallel_loop3A_256 = arith.minimumf %parallel_loop3A_235, %parallel_loop3A_225 : vector<16xf32>
      %parallel_loop3A_257 = arith.select %parallel_loop3A_254, %parallel_loop3A_227, %parallel_loop3A_237 : vector<16xi1>, vector<16xi32>
      %parallel_loop3A_258 = arith.select %parallel_loop3A_254, %parallel_loop3A_237, %parallel_loop3A_227 : vector<16xi1>, vector<16xi32>
      %parallel_loop3A_259 = arith.cmpf olt, %parallel_loop3A_245, %parallel_loop3A_226 : vector<16xf32>
      %parallel_loop3A_260 = arith.maximumf %parallel_loop3A_245, %parallel_loop3A_226 : vector<16xf32>
      %parallel_loop3A_261 = arith.minimumf %parallel_loop3A_245, %parallel_loop3A_226 : vector<16xf32>
      %parallel_loop3A_262 = arith.select %parallel_loop3A_259, %parallel_loop3A_228, %parallel_loop3A_247 : vector<16xi1>, vector<16xi32>
      %parallel_loop3A_263 = arith.select %parallel_loop3A_259, %parallel_loop3A_247, %parallel_loop3A_228 : vector<16xi1>, vector<16xi32>
      %parallel_loop3A_264 = arith.cmpf olt, %parallel_loop3A_246, %parallel_loop3A_230 : vector<16xf32>
      %parallel_loop3A_265 = arith.maximumf %parallel_loop3A_246, %parallel_loop3A_230 : vector<16xf32>
      %parallel_loop3A_266 = arith.minimumf %parallel_loop3A_246, %parallel_loop3A_230 : vector<16xf32>
      %parallel_loop3A_267 = arith.select %parallel_loop3A_264, %parallel_loop3A_232, %parallel_loop3A_248 : vector<16xi1>, vector<16xi32>
      %parallel_loop3A_268 = arith.select %parallel_loop3A_264, %parallel_loop3A_248, %parallel_loop3A_232 : vector<16xi1>, vector<16xi32>
      %parallel_loop3A_269 = arith.cmpf olt, %parallel_loop3A_250, %parallel_loop3A_231 : vector<16xf32>
      %parallel_loop3A_270 = arith.maximumf %parallel_loop3A_250, %parallel_loop3A_231 : vector<16xf32>
      %parallel_loop3A_271 = arith.minimumf %parallel_loop3A_250, %parallel_loop3A_231 : vector<16xf32>
      %parallel_loop3A_272 = arith.select %parallel_loop3A_269, %parallel_loop3A_233, %parallel_loop3A_252 : vector<16xi1>, vector<16xi32>
      %parallel_loop3A_273 = arith.select %parallel_loop3A_269, %parallel_loop3A_252, %parallel_loop3A_233 : vector<16xi1>, vector<16xi32>
      %parallel_loop3A_274 = arith.addi %parallel_loop3A_217, %parallel_loop3A_257 : vector<16xi32>
      %parallel_loop3A_275 = arith.addi %parallel_loop3A_274, %parallel_loop3A_258 : vector<16xi32>
      %parallel_loop3A_276 = arith.addi %parallel_loop3A_275, %parallel_loop3A_262 : vector<16xi32>
      %parallel_loop3A_277 = arith.addi %parallel_loop3A_276, %parallel_loop3A_263 : vector<16xi32>
      %parallel_loop3A_278 = arith.addi %parallel_loop3A_277, %parallel_loop3A_267 : vector<16xi32>
      %parallel_loop3A_279 = arith.addi %parallel_loop3A_278, %parallel_loop3A_268 : vector<16xi32>
      %parallel_loop3A_280 = arith.addi %parallel_loop3A_279, %parallel_loop3A_272 : vector<16xi32>
      %parallel_loop3A_281 = arith.addi %parallel_loop3A_280, %parallel_loop3A_273 : vector<16xi32>
      %parallel_loop3A_282 = arith.addi %parallel_loop3A_281, %parallel_loop3A_253 : vector<16xi32>
      %parallel_loop3A_283 = arith.constant 4 : i32
      %parallel_loop3A_284 = vector.broadcast %parallel_loop3A_283 : i32 to vector<16xi32>
      %parallel_loop3A_285 = arith.shli %parallel_loop3A_217, %parallel_loop3A_284 : vector<16xi32>
      %parallel_loop3A_286 = arith.constant 4 : i32
      %parallel_loop3A_287 = vector.broadcast %parallel_loop3A_286 : i32 to vector<16xi32>
      %parallel_loop3A_288 = arith.shli %parallel_loop3A_274, %parallel_loop3A_287 : vector<16xi32>
      %parallel_loop3A_289 = arith.constant 4 : i32
      %parallel_loop3A_290 = vector.broadcast %parallel_loop3A_289 : i32 to vector<16xi32>
      %parallel_loop3A_291 = arith.shli %parallel_loop3A_275, %parallel_loop3A_290 : vector<16xi32>
      %parallel_loop3A_292 = arith.constant 4 : i32
      %parallel_loop3A_293 = vector.broadcast %parallel_loop3A_292 : i32 to vector<16xi32>
      %parallel_loop3A_294 = arith.shli %parallel_loop3A_276, %parallel_loop3A_293 : vector<16xi32>
      %parallel_loop3A_295 = arith.constant 4 : i32
      %parallel_loop3A_296 = vector.broadcast %parallel_loop3A_295 : i32 to vector<16xi32>
      %parallel_loop3A_297 = arith.shli %parallel_loop3A_277, %parallel_loop3A_296 : vector<16xi32>
      %parallel_loop3A_298 = arith.constant 4 : i32
      %parallel_loop3A_299 = vector.broadcast %parallel_loop3A_298 : i32 to vector<16xi32>
      %parallel_loop3A_300 = arith.shli %parallel_loop3A_278, %parallel_loop3A_299 : vector<16xi32>
      %parallel_loop3A_301 = arith.constant 4 : i32
      %parallel_loop3A_302 = vector.broadcast %parallel_loop3A_301 : i32 to vector<16xi32>
      %parallel_loop3A_303 = arith.shli %parallel_loop3A_279, %parallel_loop3A_302 : vector<16xi32>
      %parallel_loop3A_304 = arith.constant 4 : i32
      %parallel_loop3A_305 = vector.broadcast %parallel_loop3A_304 : i32 to vector<16xi32>
      %parallel_loop3A_306 = arith.shli %parallel_loop3A_280, %parallel_loop3A_305 : vector<16xi32>
      %parallel_loop3A_307 = arith.constant 4 : i32
      %parallel_loop3A_308 = vector.broadcast %parallel_loop3A_307 : i32 to vector<16xi32>
      %parallel_loop3A_309 = arith.shli %parallel_loop3A_281, %parallel_loop3A_308 : vector<16xi32>
      %parallel_loop3A_310 = arith.constant 4 : i32
      %parallel_loop3A_311 = vector.broadcast %parallel_loop3A_310 : i32 to vector<16xi32>
      %parallel_loop3A_312 = arith.shli %parallel_loop3A_282, %parallel_loop3A_311 : vector<16xi32>
      %parallel_loop3A_313 = arith.subf %parallel_loop3A_215, %parallel_loop3A_255 : vector<16xf32>
      %parallel_loop3A_314 = vector.bitcast %parallel_loop3A_313 : vector<16xf32> to vector<16xi32>
      %parallel_loop3A_315 = arith.constant 16 : i32
      %parallel_loop3A_316 = vector.broadcast %parallel_loop3A_315 : i32 to vector<16xi32>
      %parallel_loop3A_317 = arith.shrui %parallel_loop3A_314, %parallel_loop3A_316 : vector<16xi32>
      %parallel_loop3A_318 = arith.constant 1 : i32
      %parallel_loop3A_319 = vector.broadcast %parallel_loop3A_318 : i32 to vector<16xi32>
      %parallel_loop3A_320 = arith.andi %parallel_loop3A_317, %parallel_loop3A_319 : vector<16xi32>
      %parallel_loop3A_321 = arith.addi %parallel_loop3A_314, %parallel_loop3A_320 : vector<16xi32>
      %parallel_loop3A_322 = arith.constant 32767 : i32
      %parallel_loop3A_323 = vector.broadcast %parallel_loop3A_322 : i32 to vector<16xi32>
      %parallel_loop3A_324 = arith.addi %parallel_loop3A_321, %parallel_loop3A_323 : vector<16xi32>
      %parallel_loop3A_325 = arith.constant -65536 : i32
      %parallel_loop3A_326 = vector.broadcast %parallel_loop3A_325 : i32 to vector<16xi32>
      %parallel_loop3A_327 = arith.andi %parallel_loop3A_324, %parallel_loop3A_326 : vector<16xi32>
      %parallel_loop3A_328 = vector.bitcast %parallel_loop3A_327 : vector<16xi32> to vector<16xf32>
      %parallel_loop3A_329 = arith.subf %parallel_loop3A_255, %parallel_loop3A_256 : vector<16xf32>
      %parallel_loop3A_330 = vector.bitcast %parallel_loop3A_329 : vector<16xf32> to vector<16xi32>
      %parallel_loop3A_331 = arith.constant 16 : i32
      %parallel_loop3A_332 = vector.broadcast %parallel_loop3A_331 : i32 to vector<16xi32>
      %parallel_loop3A_333 = arith.shrui %parallel_loop3A_330, %parallel_loop3A_332 : vector<16xi32>
      %parallel_loop3A_334 = arith.constant 1 : i32
      %parallel_loop3A_335 = vector.broadcast %parallel_loop3A_334 : i32 to vector<16xi32>
      %parallel_loop3A_336 = arith.andi %parallel_loop3A_333, %parallel_loop3A_335 : vector<16xi32>
      %parallel_loop3A_337 = arith.addi %parallel_loop3A_330, %parallel_loop3A_336 : vector<16xi32>
      %parallel_loop3A_338 = arith.constant 32767 : i32
      %parallel_loop3A_339 = vector.broadcast %parallel_loop3A_338 : i32 to vector<16xi32>
      %parallel_loop3A_340 = arith.addi %parallel_loop3A_337, %parallel_loop3A_339 : vector<16xi32>
      %parallel_loop3A_341 = arith.constant -65536 : i32
      %parallel_loop3A_342 = vector.broadcast %parallel_loop3A_341 : i32 to vector<16xi32>
      %parallel_loop3A_343 = arith.andi %parallel_loop3A_340, %parallel_loop3A_342 : vector<16xi32>
      %parallel_loop3A_344 = vector.bitcast %parallel_loop3A_343 : vector<16xi32> to vector<16xf32>
      %parallel_loop3A_345 = arith.subf %parallel_loop3A_256, %parallel_loop3A_260 : vector<16xf32>
      %parallel_loop3A_346 = vector.bitcast %parallel_loop3A_345 : vector<16xf32> to vector<16xi32>
      %parallel_loop3A_347 = arith.constant 16 : i32
      %parallel_loop3A_348 = vector.broadcast %parallel_loop3A_347 : i32 to vector<16xi32>
      %parallel_loop3A_349 = arith.shrui %parallel_loop3A_346, %parallel_loop3A_348 : vector<16xi32>
      %parallel_loop3A_350 = arith.constant 1 : i32
      %parallel_loop3A_351 = vector.broadcast %parallel_loop3A_350 : i32 to vector<16xi32>
      %parallel_loop3A_352 = arith.andi %parallel_loop3A_349, %parallel_loop3A_351 : vector<16xi32>
      %parallel_loop3A_353 = arith.addi %parallel_loop3A_346, %parallel_loop3A_352 : vector<16xi32>
      %parallel_loop3A_354 = arith.constant 32767 : i32
      %parallel_loop3A_355 = vector.broadcast %parallel_loop3A_354 : i32 to vector<16xi32>
      %parallel_loop3A_356 = arith.addi %parallel_loop3A_353, %parallel_loop3A_355 : vector<16xi32>
      %parallel_loop3A_357 = arith.constant -65536 : i32
      %parallel_loop3A_358 = vector.broadcast %parallel_loop3A_357 : i32 to vector<16xi32>
      %parallel_loop3A_359 = arith.andi %parallel_loop3A_356, %parallel_loop3A_358 : vector<16xi32>
      %parallel_loop3A_360 = vector.bitcast %parallel_loop3A_359 : vector<16xi32> to vector<16xf32>
      %parallel_loop3A_361 = arith.subf %parallel_loop3A_260, %parallel_loop3A_261 : vector<16xf32>
      %parallel_loop3A_362 = vector.bitcast %parallel_loop3A_361 : vector<16xf32> to vector<16xi32>
      %parallel_loop3A_363 = arith.constant 16 : i32
      %parallel_loop3A_364 = vector.broadcast %parallel_loop3A_363 : i32 to vector<16xi32>
      %parallel_loop3A_365 = arith.shrui %parallel_loop3A_362, %parallel_loop3A_364 : vector<16xi32>
      %parallel_loop3A_366 = arith.constant 1 : i32
      %parallel_loop3A_367 = vector.broadcast %parallel_loop3A_366 : i32 to vector<16xi32>
      %parallel_loop3A_368 = arith.andi %parallel_loop3A_365, %parallel_loop3A_367 : vector<16xi32>
      %parallel_loop3A_369 = arith.addi %parallel_loop3A_362, %parallel_loop3A_368 : vector<16xi32>
      %parallel_loop3A_370 = arith.constant 32767 : i32
      %parallel_loop3A_371 = vector.broadcast %parallel_loop3A_370 : i32 to vector<16xi32>
      %parallel_loop3A_372 = arith.addi %parallel_loop3A_369, %parallel_loop3A_371 : vector<16xi32>
      %parallel_loop3A_373 = arith.constant -65536 : i32
      %parallel_loop3A_374 = vector.broadcast %parallel_loop3A_373 : i32 to vector<16xi32>
      %parallel_loop3A_375 = arith.andi %parallel_loop3A_372, %parallel_loop3A_374 : vector<16xi32>
      %parallel_loop3A_376 = vector.bitcast %parallel_loop3A_375 : vector<16xi32> to vector<16xf32>
      %parallel_loop3A_377 = arith.subf %parallel_loop3A_261, %parallel_loop3A_265 : vector<16xf32>
      %parallel_loop3A_378 = vector.bitcast %parallel_loop3A_377 : vector<16xf32> to vector<16xi32>
      %parallel_loop3A_379 = arith.constant 16 : i32
      %parallel_loop3A_380 = vector.broadcast %parallel_loop3A_379 : i32 to vector<16xi32>
      %parallel_loop3A_381 = arith.shrui %parallel_loop3A_378, %parallel_loop3A_380 : vector<16xi32>
      %parallel_loop3A_382 = arith.constant 1 : i32
      %parallel_loop3A_383 = vector.broadcast %parallel_loop3A_382 : i32 to vector<16xi32>
      %parallel_loop3A_384 = arith.andi %parallel_loop3A_381, %parallel_loop3A_383 : vector<16xi32>
      %parallel_loop3A_385 = arith.addi %parallel_loop3A_378, %parallel_loop3A_384 : vector<16xi32>
      %parallel_loop3A_386 = arith.constant 32767 : i32
      %parallel_loop3A_387 = vector.broadcast %parallel_loop3A_386 : i32 to vector<16xi32>
      %parallel_loop3A_388 = arith.addi %parallel_loop3A_385, %parallel_loop3A_387 : vector<16xi32>
      %parallel_loop3A_389 = arith.constant -65536 : i32
      %parallel_loop3A_390 = vector.broadcast %parallel_loop3A_389 : i32 to vector<16xi32>
      %parallel_loop3A_391 = arith.andi %parallel_loop3A_388, %parallel_loop3A_390 : vector<16xi32>
      %parallel_loop3A_392 = vector.bitcast %parallel_loop3A_391 : vector<16xi32> to vector<16xf32>
      %parallel_loop3A_393 = arith.subf %parallel_loop3A_265, %parallel_loop3A_266 : vector<16xf32>
      %parallel_loop3A_394 = vector.bitcast %parallel_loop3A_393 : vector<16xf32> to vector<16xi32>
      %parallel_loop3A_395 = arith.constant 16 : i32
      %parallel_loop3A_396 = vector.broadcast %parallel_loop3A_395 : i32 to vector<16xi32>
      %parallel_loop3A_397 = arith.shrui %parallel_loop3A_394, %parallel_loop3A_396 : vector<16xi32>
      %parallel_loop3A_398 = arith.constant 1 : i32
      %parallel_loop3A_399 = vector.broadcast %parallel_loop3A_398 : i32 to vector<16xi32>
      %parallel_loop3A_400 = arith.andi %parallel_loop3A_397, %parallel_loop3A_399 : vector<16xi32>
      %parallel_loop3A_401 = arith.addi %parallel_loop3A_394, %parallel_loop3A_400 : vector<16xi32>
      %parallel_loop3A_402 = arith.constant 32767 : i32
      %parallel_loop3A_403 = vector.broadcast %parallel_loop3A_402 : i32 to vector<16xi32>
      %parallel_loop3A_404 = arith.addi %parallel_loop3A_401, %parallel_loop3A_403 : vector<16xi32>
      %parallel_loop3A_405 = arith.constant -65536 : i32
      %parallel_loop3A_406 = vector.broadcast %parallel_loop3A_405 : i32 to vector<16xi32>
      %parallel_loop3A_407 = arith.andi %parallel_loop3A_404, %parallel_loop3A_406 : vector<16xi32>
      %parallel_loop3A_408 = vector.bitcast %parallel_loop3A_407 : vector<16xi32> to vector<16xf32>
      %parallel_loop3A_409 = arith.subf %parallel_loop3A_266, %parallel_loop3A_270 : vector<16xf32>
      %parallel_loop3A_410 = vector.bitcast %parallel_loop3A_409 : vector<16xf32> to vector<16xi32>
      %parallel_loop3A_411 = arith.constant 16 : i32
      %parallel_loop3A_412 = vector.broadcast %parallel_loop3A_411 : i32 to vector<16xi32>
      %parallel_loop3A_413 = arith.shrui %parallel_loop3A_410, %parallel_loop3A_412 : vector<16xi32>
      %parallel_loop3A_414 = arith.constant 1 : i32
      %parallel_loop3A_415 = vector.broadcast %parallel_loop3A_414 : i32 to vector<16xi32>
      %parallel_loop3A_416 = arith.andi %parallel_loop3A_413, %parallel_loop3A_415 : vector<16xi32>
      %parallel_loop3A_417 = arith.addi %parallel_loop3A_410, %parallel_loop3A_416 : vector<16xi32>
      %parallel_loop3A_418 = arith.constant 32767 : i32
      %parallel_loop3A_419 = vector.broadcast %parallel_loop3A_418 : i32 to vector<16xi32>
      %parallel_loop3A_420 = arith.addi %parallel_loop3A_417, %parallel_loop3A_419 : vector<16xi32>
      %parallel_loop3A_421 = arith.constant -65536 : i32
      %parallel_loop3A_422 = vector.broadcast %parallel_loop3A_421 : i32 to vector<16xi32>
      %parallel_loop3A_423 = arith.andi %parallel_loop3A_420, %parallel_loop3A_422 : vector<16xi32>
      %parallel_loop3A_424 = vector.bitcast %parallel_loop3A_423 : vector<16xi32> to vector<16xf32>
      %parallel_loop3A_425 = arith.subf %parallel_loop3A_270, %parallel_loop3A_271 : vector<16xf32>
      %parallel_loop3A_426 = vector.bitcast %parallel_loop3A_425 : vector<16xf32> to vector<16xi32>
      %parallel_loop3A_427 = arith.constant 16 : i32
      %parallel_loop3A_428 = vector.broadcast %parallel_loop3A_427 : i32 to vector<16xi32>
      %parallel_loop3A_429 = arith.shrui %parallel_loop3A_426, %parallel_loop3A_428 : vector<16xi32>
      %parallel_loop3A_430 = arith.constant 1 : i32
      %parallel_loop3A_431 = vector.broadcast %parallel_loop3A_430 : i32 to vector<16xi32>
      %parallel_loop3A_432 = arith.andi %parallel_loop3A_429, %parallel_loop3A_431 : vector<16xi32>
      %parallel_loop3A_433 = arith.addi %parallel_loop3A_426, %parallel_loop3A_432 : vector<16xi32>
      %parallel_loop3A_434 = arith.constant 32767 : i32
      %parallel_loop3A_435 = vector.broadcast %parallel_loop3A_434 : i32 to vector<16xi32>
      %parallel_loop3A_436 = arith.addi %parallel_loop3A_433, %parallel_loop3A_435 : vector<16xi32>
      %parallel_loop3A_437 = arith.constant -65536 : i32
      %parallel_loop3A_438 = vector.broadcast %parallel_loop3A_437 : i32 to vector<16xi32>
      %parallel_loop3A_439 = arith.andi %parallel_loop3A_436, %parallel_loop3A_438 : vector<16xi32>
      %parallel_loop3A_440 = vector.bitcast %parallel_loop3A_439 : vector<16xi32> to vector<16xf32>
      %parallel_loop3A_441 = arith.subf %parallel_loop3A_271, %parallel_loop3A_251 : vector<16xf32>
      %parallel_loop3A_442 = vector.bitcast %parallel_loop3A_441 : vector<16xf32> to vector<16xi32>
      %parallel_loop3A_443 = arith.constant 16 : i32
      %parallel_loop3A_444 = vector.broadcast %parallel_loop3A_443 : i32 to vector<16xi32>
      %parallel_loop3A_445 = arith.shrui %parallel_loop3A_442, %parallel_loop3A_444 : vector<16xi32>
      %parallel_loop3A_446 = arith.constant 1 : i32
      %parallel_loop3A_447 = vector.broadcast %parallel_loop3A_446 : i32 to vector<16xi32>
      %parallel_loop3A_448 = arith.andi %parallel_loop3A_445, %parallel_loop3A_447 : vector<16xi32>
      %parallel_loop3A_449 = arith.addi %parallel_loop3A_442, %parallel_loop3A_448 : vector<16xi32>
      %parallel_loop3A_450 = arith.constant 32767 : i32
      %parallel_loop3A_451 = vector.broadcast %parallel_loop3A_450 : i32 to vector<16xi32>
      %parallel_loop3A_452 = arith.addi %parallel_loop3A_449, %parallel_loop3A_451 : vector<16xi32>
      %parallel_loop3A_453 = arith.constant -65536 : i32
      %parallel_loop3A_454 = vector.broadcast %parallel_loop3A_453 : i32 to vector<16xi32>
      %parallel_loop3A_455 = arith.andi %parallel_loop3A_452, %parallel_loop3A_454 : vector<16xi32>
      %parallel_loop3A_456 = vector.bitcast %parallel_loop3A_455 : vector<16xi32> to vector<16xf32>
      %parallel_loop3A_457 = vector.bitcast %parallel_loop3A_251 : vector<16xf32> to vector<16xi32>
      %parallel_loop3A_458 = arith.constant 16 : i32
      %parallel_loop3A_459 = vector.broadcast %parallel_loop3A_458 : i32 to vector<16xi32>
      %parallel_loop3A_460 = arith.shrui %parallel_loop3A_457, %parallel_loop3A_459 : vector<16xi32>
      %parallel_loop3A_461 = arith.constant 1 : i32
      %parallel_loop3A_462 = vector.broadcast %parallel_loop3A_461 : i32 to vector<16xi32>
      %parallel_loop3A_463 = arith.andi %parallel_loop3A_460, %parallel_loop3A_462 : vector<16xi32>
      %parallel_loop3A_464 = arith.addi %parallel_loop3A_457, %parallel_loop3A_463 : vector<16xi32>
      %parallel_loop3A_465 = arith.constant 32767 : i32
      %parallel_loop3A_466 = vector.broadcast %parallel_loop3A_465 : i32 to vector<16xi32>
      %parallel_loop3A_467 = arith.addi %parallel_loop3A_464, %parallel_loop3A_466 : vector<16xi32>
      %parallel_loop3A_468 = arith.constant -65536 : i32
      %parallel_loop3A_469 = vector.broadcast %parallel_loop3A_468 : i32 to vector<16xi32>
      %parallel_loop3A_470 = arith.andi %parallel_loop3A_467, %parallel_loop3A_469 : vector<16xi32>
      %parallel_loop3A_471 = vector.bitcast %parallel_loop3A_470 : vector<16xi32> to vector<16xf32>
      %parallel_loop3A_472 = arith.constant 0 : i32
      %parallel_loop3A_473 = vector.broadcast %parallel_loop3A_472 : i32 to vector<16xi32>
      %parallel_loop3A_474 = arith.addi %iota3A, %parallel_loop3A_473 : vector<16xi32>
      %parallel_loop3A_475 = arith.andi %parallel_loop3A_474, %broadcast_in_dim3A_28 : vector<16xi32>
      %parallel_loop3A_476 = arith.addi %parallel_loop3A_285, %parallel_loop3A_475 : vector<16xi32>
      %parallel_loop3A_477 = tpu.vector_load_idx %arg6[%parallel_loop3A_476] : memref<16384xf32, #tpu.memory_space<vmem>>[vector<16xi32>], vector<16xf32>,
      %parallel_loop3A_478 = arith.mulf %parallel_loop3A_328, %parallel_loop3A_477 : vector<16xf32>
      %parallel_loop3A_479 = arith.addf %parallel_loop3A_471, %parallel_loop3A_478 : vector<16xf32>
      %parallel_loop3A_480 = arith.addi %parallel_loop3A_288, %parallel_loop3A_475 : vector<16xi32>
      %parallel_loop3A_481 = tpu.vector_load_idx %arg6[%parallel_loop3A_480] : memref<16384xf32, #tpu.memory_space<vmem>>[vector<16xi32>], vector<16xf32>,
      %parallel_loop3A_482 = arith.mulf %parallel_loop3A_344, %parallel_loop3A_481 : vector<16xf32>
      %parallel_loop3A_483 = arith.addf %parallel_loop3A_479, %parallel_loop3A_482 : vector<16xf32>
      %parallel_loop3A_484 = arith.addi %parallel_loop3A_291, %parallel_loop3A_475 : vector<16xi32>
      %parallel_loop3A_485 = tpu.vector_load_idx %arg6[%parallel_loop3A_484] : memref<16384xf32, #tpu.memory_space<vmem>>[vector<16xi32>], vector<16xf32>,
      %parallel_loop3A_486 = arith.mulf %parallel_loop3A_360, %parallel_loop3A_485 : vector<16xf32>
      %parallel_loop3A_487 = arith.addf %parallel_loop3A_483, %parallel_loop3A_486 : vector<16xf32>
      %parallel_loop3A_488 = arith.addi %parallel_loop3A_294, %parallel_loop3A_475 : vector<16xi32>
      %parallel_loop3A_489 = tpu.vector_load_idx %arg6[%parallel_loop3A_488] : memref<16384xf32, #tpu.memory_space<vmem>>[vector<16xi32>], vector<16xf32>,
      %parallel_loop3A_490 = arith.mulf %parallel_loop3A_376, %parallel_loop3A_489 : vector<16xf32>
      %parallel_loop3A_491 = arith.addf %parallel_loop3A_487, %parallel_loop3A_490 : vector<16xf32>
      %parallel_loop3A_492 = arith.addi %parallel_loop3A_297, %parallel_loop3A_475 : vector<16xi32>
      %parallel_loop3A_493 = tpu.vector_load_idx %arg6[%parallel_loop3A_492] : memref<16384xf32, #tpu.memory_space<vmem>>[vector<16xi32>], vector<16xf32>,
      %parallel_loop3A_494 = arith.mulf %parallel_loop3A_392, %parallel_loop3A_493 : vector<16xf32>
      %parallel_loop3A_495 = arith.addf %parallel_loop3A_491, %parallel_loop3A_494 : vector<16xf32>
      %parallel_loop3A_496 = arith.addi %parallel_loop3A_300, %parallel_loop3A_475 : vector<16xi32>
      %parallel_loop3A_497 = tpu.vector_load_idx %arg6[%parallel_loop3A_496] : memref<16384xf32, #tpu.memory_space<vmem>>[vector<16xi32>], vector<16xf32>,
      %parallel_loop3A_498 = arith.mulf %parallel_loop3A_408, %parallel_loop3A_497 : vector<16xf32>
      %parallel_loop3A_499 = arith.addf %parallel_loop3A_495, %parallel_loop3A_498 : vector<16xf32>
      %parallel_loop3A_500 = arith.addi %parallel_loop3A_303, %parallel_loop3A_475 : vector<16xi32>
      %parallel_loop3A_501 = tpu.vector_load_idx %arg6[%parallel_loop3A_500] : memref<16384xf32, #tpu.memory_space<vmem>>[vector<16xi32>], vector<16xf32>,
      %parallel_loop3A_502 = arith.mulf %parallel_loop3A_424, %parallel_loop3A_501 : vector<16xf32>
      %parallel_loop3A_503 = arith.addf %parallel_loop3A_499, %parallel_loop3A_502 : vector<16xf32>
      %parallel_loop3A_504 = arith.addi %parallel_loop3A_306, %parallel_loop3A_475 : vector<16xi32>
      %parallel_loop3A_505 = tpu.vector_load_idx %arg6[%parallel_loop3A_504] : memref<16384xf32, #tpu.memory_space<vmem>>[vector<16xi32>], vector<16xf32>,
      %parallel_loop3A_506 = arith.mulf %parallel_loop3A_440, %parallel_loop3A_505 : vector<16xf32>
      %parallel_loop3A_507 = arith.addf %parallel_loop3A_503, %parallel_loop3A_506 : vector<16xf32>
      %parallel_loop3A_508 = arith.addi %parallel_loop3A_309, %parallel_loop3A_475 : vector<16xi32>
      %parallel_loop3A_509 = tpu.vector_load_idx %arg6[%parallel_loop3A_508] : memref<16384xf32, #tpu.memory_space<vmem>>[vector<16xi32>], vector<16xf32>,
      %parallel_loop3A_510 = arith.mulf %parallel_loop3A_456, %parallel_loop3A_509 : vector<16xf32>
      %parallel_loop3A_511 = arith.addf %parallel_loop3A_507, %parallel_loop3A_510 : vector<16xf32>
      tpu.vector_store_idx %arg9[%parallel_loop3A_49, %parallel_loop3A_475], %parallel_loop3A_511 : memref<2048x16xf32, #tpu.memory_space<vmem>>[vector<16xi32>, vector<16xi32>], vector<16xf32>,
      %parallel_loop3A_512 = arith.constant 1 : i32
      %parallel_loop3A_513 = vector.broadcast %parallel_loop3A_512 : i32 to vector<16xi32>
      %parallel_loop3A_514 = arith.addi %iota3A, %parallel_loop3A_513 : vector<16xi32>
      %parallel_loop3A_515 = arith.andi %parallel_loop3A_514, %broadcast_in_dim3A_28 : vector<16xi32>
      %parallel_loop3A_516 = arith.addi %parallel_loop3A_285, %parallel_loop3A_515 : vector<16xi32>
      %parallel_loop3A_517 = tpu.vector_load_idx %arg6[%parallel_loop3A_516] : memref<16384xf32, #tpu.memory_space<vmem>>[vector<16xi32>], vector<16xf32>,
      %parallel_loop3A_518 = arith.mulf %parallel_loop3A_328, %parallel_loop3A_517 : vector<16xf32>
      %parallel_loop3A_519 = arith.addf %parallel_loop3A_471, %parallel_loop3A_518 : vector<16xf32>
      %parallel_loop3A_520 = arith.addi %parallel_loop3A_288, %parallel_loop3A_515 : vector<16xi32>
      %parallel_loop3A_521 = tpu.vector_load_idx %arg6[%parallel_loop3A_520] : memref<16384xf32, #tpu.memory_space<vmem>>[vector<16xi32>], vector<16xf32>,
      %parallel_loop3A_522 = arith.mulf %parallel_loop3A_344, %parallel_loop3A_521 : vector<16xf32>
      %parallel_loop3A_523 = arith.addf %parallel_loop3A_519, %parallel_loop3A_522 : vector<16xf32>
      %parallel_loop3A_524 = arith.addi %parallel_loop3A_291, %parallel_loop3A_515 : vector<16xi32>
      %parallel_loop3A_525 = tpu.vector_load_idx %arg6[%parallel_loop3A_524] : memref<16384xf32, #tpu.memory_space<vmem>>[vector<16xi32>], vector<16xf32>,
      %parallel_loop3A_526 = arith.mulf %parallel_loop3A_360, %parallel_loop3A_525 : vector<16xf32>
      %parallel_loop3A_527 = arith.addf %parallel_loop3A_523, %parallel_loop3A_526 : vector<16xf32>
      %parallel_loop3A_528 = arith.addi %parallel_loop3A_294, %parallel_loop3A_515 : vector<16xi32>
      %parallel_loop3A_529 = tpu.vector_load_idx %arg6[%parallel_loop3A_528] : memref<16384xf32, #tpu.memory_space<vmem>>[vector<16xi32>], vector<16xf32>,
      %parallel_loop3A_530 = arith.mulf %parallel_loop3A_376, %parallel_loop3A_529 : vector<16xf32>
      %parallel_loop3A_531 = arith.addf %parallel_loop3A_527, %parallel_loop3A_530 : vector<16xf32>
      %parallel_loop3A_532 = arith.addi %parallel_loop3A_297, %parallel_loop3A_515 : vector<16xi32>
      %parallel_loop3A_533 = tpu.vector_load_idx %arg6[%parallel_loop3A_532] : memref<16384xf32, #tpu.memory_space<vmem>>[vector<16xi32>], vector<16xf32>,
      %parallel_loop3A_534 = arith.mulf %parallel_loop3A_392, %parallel_loop3A_533 : vector<16xf32>
      %parallel_loop3A_535 = arith.addf %parallel_loop3A_531, %parallel_loop3A_534 : vector<16xf32>
      %parallel_loop3A_536 = arith.addi %parallel_loop3A_300, %parallel_loop3A_515 : vector<16xi32>
      %parallel_loop3A_537 = tpu.vector_load_idx %arg6[%parallel_loop3A_536] : memref<16384xf32, #tpu.memory_space<vmem>>[vector<16xi32>], vector<16xf32>,
      %parallel_loop3A_538 = arith.mulf %parallel_loop3A_408, %parallel_loop3A_537 : vector<16xf32>
      %parallel_loop3A_539 = arith.addf %parallel_loop3A_535, %parallel_loop3A_538 : vector<16xf32>
      %parallel_loop3A_540 = arith.addi %parallel_loop3A_303, %parallel_loop3A_515 : vector<16xi32>
      %parallel_loop3A_541 = tpu.vector_load_idx %arg6[%parallel_loop3A_540] : memref<16384xf32, #tpu.memory_space<vmem>>[vector<16xi32>], vector<16xf32>,
      %parallel_loop3A_542 = arith.mulf %parallel_loop3A_424, %parallel_loop3A_541 : vector<16xf32>
      %parallel_loop3A_543 = arith.addf %parallel_loop3A_539, %parallel_loop3A_542 : vector<16xf32>
      %parallel_loop3A_544 = arith.addi %parallel_loop3A_306, %parallel_loop3A_515 : vector<16xi32>
      %parallel_loop3A_545 = tpu.vector_load_idx %arg6[%parallel_loop3A_544] : memref<16384xf32, #tpu.memory_space<vmem>>[vector<16xi32>], vector<16xf32>,
      %parallel_loop3A_546 = arith.mulf %parallel_loop3A_440, %parallel_loop3A_545 : vector<16xf32>
      %parallel_loop3A_547 = arith.addf %parallel_loop3A_543, %parallel_loop3A_546 : vector<16xf32>
      %parallel_loop3A_548 = arith.addi %parallel_loop3A_309, %parallel_loop3A_515 : vector<16xi32>
      %parallel_loop3A_549 = tpu.vector_load_idx %arg6[%parallel_loop3A_548] : memref<16384xf32, #tpu.memory_space<vmem>>[vector<16xi32>], vector<16xf32>,
      %parallel_loop3A_550 = arith.mulf %parallel_loop3A_456, %parallel_loop3A_549 : vector<16xf32>
      %parallel_loop3A_551 = arith.addf %parallel_loop3A_547, %parallel_loop3A_550 : vector<16xf32>
      tpu.vector_store_idx %arg9[%parallel_loop3A_49, %parallel_loop3A_515], %parallel_loop3A_551 : memref<2048x16xf32, #tpu.memory_space<vmem>>[vector<16xi32>, vector<16xi32>], vector<16xf32>,
      %parallel_loop3A_552 = arith.constant 2 : i32
      %parallel_loop3A_553 = vector.broadcast %parallel_loop3A_552 : i32 to vector<16xi32>
      %parallel_loop3A_554 = arith.addi %iota3A, %parallel_loop3A_553 : vector<16xi32>
      %parallel_loop3A_555 = arith.andi %parallel_loop3A_554, %broadcast_in_dim3A_28 : vector<16xi32>
      %parallel_loop3A_556 = arith.addi %parallel_loop3A_285, %parallel_loop3A_555 : vector<16xi32>
      %parallel_loop3A_557 = tpu.vector_load_idx %arg6[%parallel_loop3A_556] : memref<16384xf32, #tpu.memory_space<vmem>>[vector<16xi32>], vector<16xf32>,
      %parallel_loop3A_558 = arith.mulf %parallel_loop3A_328, %parallel_loop3A_557 : vector<16xf32>
      %parallel_loop3A_559 = arith.addf %parallel_loop3A_471, %parallel_loop3A_558 : vector<16xf32>
      %parallel_loop3A_560 = arith.addi %parallel_loop3A_288, %parallel_loop3A_555 : vector<16xi32>
      %parallel_loop3A_561 = tpu.vector_load_idx %arg6[%parallel_loop3A_560] : memref<16384xf32, #tpu.memory_space<vmem>>[vector<16xi32>], vector<16xf32>,
      %parallel_loop3A_562 = arith.mulf %parallel_loop3A_344, %parallel_loop3A_561 : vector<16xf32>
      %parallel_loop3A_563 = arith.addf %parallel_loop3A_559, %parallel_loop3A_562 : vector<16xf32>
      %parallel_loop3A_564 = arith.addi %parallel_loop3A_291, %parallel_loop3A_555 : vector<16xi32>
      %parallel_loop3A_565 = tpu.vector_load_idx %arg6[%parallel_loop3A_564] : memref<16384xf32, #tpu.memory_space<vmem>>[vector<16xi32>], vector<16xf32>,
      %parallel_loop3A_566 = arith.mulf %parallel_loop3A_360, %parallel_loop3A_565 : vector<16xf32>
      %parallel_loop3A_567 = arith.addf %parallel_loop3A_563, %parallel_loop3A_566 : vector<16xf32>
      %parallel_loop3A_568 = arith.addi %parallel_loop3A_294, %parallel_loop3A_555 : vector<16xi32>
      %parallel_loop3A_569 = tpu.vector_load_idx %arg6[%parallel_loop3A_568] : memref<16384xf32, #tpu.memory_space<vmem>>[vector<16xi32>], vector<16xf32>,
      %parallel_loop3A_570 = arith.mulf %parallel_loop3A_376, %parallel_loop3A_569 : vector<16xf32>
      %parallel_loop3A_571 = arith.addf %parallel_loop3A_567, %parallel_loop3A_570 : vector<16xf32>
      %parallel_loop3A_572 = arith.addi %parallel_loop3A_297, %parallel_loop3A_555 : vector<16xi32>
      %parallel_loop3A_573 = tpu.vector_load_idx %arg6[%parallel_loop3A_572] : memref<16384xf32, #tpu.memory_space<vmem>>[vector<16xi32>], vector<16xf32>,
      %parallel_loop3A_574 = arith.mulf %parallel_loop3A_392, %parallel_loop3A_573 : vector<16xf32>
      %parallel_loop3A_575 = arith.addf %parallel_loop3A_571, %parallel_loop3A_574 : vector<16xf32>
      %parallel_loop3A_576 = arith.addi %parallel_loop3A_300, %parallel_loop3A_555 : vector<16xi32>
      %parallel_loop3A_577 = tpu.vector_load_idx %arg6[%parallel_loop3A_576] : memref<16384xf32, #tpu.memory_space<vmem>>[vector<16xi32>], vector<16xf32>,
      %parallel_loop3A_578 = arith.mulf %parallel_loop3A_408, %parallel_loop3A_577 : vector<16xf32>
      %parallel_loop3A_579 = arith.addf %parallel_loop3A_575, %parallel_loop3A_578 : vector<16xf32>
      %parallel_loop3A_580 = arith.addi %parallel_loop3A_303, %parallel_loop3A_555 : vector<16xi32>
      %parallel_loop3A_581 = tpu.vector_load_idx %arg6[%parallel_loop3A_580] : memref<16384xf32, #tpu.memory_space<vmem>>[vector<16xi32>], vector<16xf32>,
      %parallel_loop3A_582 = arith.mulf %parallel_loop3A_424, %parallel_loop3A_581 : vector<16xf32>
      %parallel_loop3A_583 = arith.addf %parallel_loop3A_579, %parallel_loop3A_582 : vector<16xf32>
      %parallel_loop3A_584 = arith.addi %parallel_loop3A_306, %parallel_loop3A_555 : vector<16xi32>
      %parallel_loop3A_585 = tpu.vector_load_idx %arg6[%parallel_loop3A_584] : memref<16384xf32, #tpu.memory_space<vmem>>[vector<16xi32>], vector<16xf32>,
      %parallel_loop3A_586 = arith.mulf %parallel_loop3A_440, %parallel_loop3A_585 : vector<16xf32>
      %parallel_loop3A_587 = arith.addf %parallel_loop3A_583, %parallel_loop3A_586 : vector<16xf32>
      %parallel_loop3A_588 = arith.addi %parallel_loop3A_309, %parallel_loop3A_555 : vector<16xi32>
      %parallel_loop3A_589 = tpu.vector_load_idx %arg6[%parallel_loop3A_588] : memref<16384xf32, #tpu.memory_space<vmem>>[vector<16xi32>], vector<16xf32>,
      %parallel_loop3A_590 = arith.mulf %parallel_loop3A_456, %parallel_loop3A_589 : vector<16xf32>
      %parallel_loop3A_591 = arith.addf %parallel_loop3A_587, %parallel_loop3A_590 : vector<16xf32>
      tpu.vector_store_idx %arg9[%parallel_loop3A_49, %parallel_loop3A_555], %parallel_loop3A_591 : memref<2048x16xf32, #tpu.memory_space<vmem>>[vector<16xi32>, vector<16xi32>], vector<16xf32>,
      %parallel_loop3A_592 = arith.constant 3 : i32
      %parallel_loop3A_593 = vector.broadcast %parallel_loop3A_592 : i32 to vector<16xi32>
      %parallel_loop3A_594 = arith.addi %iota3A, %parallel_loop3A_593 : vector<16xi32>
      %parallel_loop3A_595 = arith.andi %parallel_loop3A_594, %broadcast_in_dim3A_28 : vector<16xi32>
      %parallel_loop3A_596 = arith.addi %parallel_loop3A_285, %parallel_loop3A_595 : vector<16xi32>
      %parallel_loop3A_597 = tpu.vector_load_idx %arg6[%parallel_loop3A_596] : memref<16384xf32, #tpu.memory_space<vmem>>[vector<16xi32>], vector<16xf32>,
      %parallel_loop3A_598 = arith.mulf %parallel_loop3A_328, %parallel_loop3A_597 : vector<16xf32>
      %parallel_loop3A_599 = arith.addf %parallel_loop3A_471, %parallel_loop3A_598 : vector<16xf32>
      %parallel_loop3A_600 = arith.addi %parallel_loop3A_288, %parallel_loop3A_595 : vector<16xi32>
      %parallel_loop3A_601 = tpu.vector_load_idx %arg6[%parallel_loop3A_600] : memref<16384xf32, #tpu.memory_space<vmem>>[vector<16xi32>], vector<16xf32>,
      %parallel_loop3A_602 = arith.mulf %parallel_loop3A_344, %parallel_loop3A_601 : vector<16xf32>
      %parallel_loop3A_603 = arith.addf %parallel_loop3A_599, %parallel_loop3A_602 : vector<16xf32>
      %parallel_loop3A_604 = arith.addi %parallel_loop3A_291, %parallel_loop3A_595 : vector<16xi32>
      %parallel_loop3A_605 = tpu.vector_load_idx %arg6[%parallel_loop3A_604] : memref<16384xf32, #tpu.memory_space<vmem>>[vector<16xi32>], vector<16xf32>,
      %parallel_loop3A_606 = arith.mulf %parallel_loop3A_360, %parallel_loop3A_605 : vector<16xf32>
      %parallel_loop3A_607 = arith.addf %parallel_loop3A_603, %parallel_loop3A_606 : vector<16xf32>
      %parallel_loop3A_608 = arith.addi %parallel_loop3A_294, %parallel_loop3A_595 : vector<16xi32>
      %parallel_loop3A_609 = tpu.vector_load_idx %arg6[%parallel_loop3A_608] : memref<16384xf32, #tpu.memory_space<vmem>>[vector<16xi32>], vector<16xf32>,
      %parallel_loop3A_610 = arith.mulf %parallel_loop3A_376, %parallel_loop3A_609 : vector<16xf32>
      %parallel_loop3A_611 = arith.addf %parallel_loop3A_607, %parallel_loop3A_610 : vector<16xf32>
      %parallel_loop3A_612 = arith.addi %parallel_loop3A_297, %parallel_loop3A_595 : vector<16xi32>
      %parallel_loop3A_613 = tpu.vector_load_idx %arg6[%parallel_loop3A_612] : memref<16384xf32, #tpu.memory_space<vmem>>[vector<16xi32>], vector<16xf32>,
      %parallel_loop3A_614 = arith.mulf %parallel_loop3A_392, %parallel_loop3A_613 : vector<16xf32>
      %parallel_loop3A_615 = arith.addf %parallel_loop3A_611, %parallel_loop3A_614 : vector<16xf32>
      %parallel_loop3A_616 = arith.addi %parallel_loop3A_300, %parallel_loop3A_595 : vector<16xi32>
      %parallel_loop3A_617 = tpu.vector_load_idx %arg6[%parallel_loop3A_616] : memref<16384xf32, #tpu.memory_space<vmem>>[vector<16xi32>], vector<16xf32>,
      %parallel_loop3A_618 = arith.mulf %parallel_loop3A_408, %parallel_loop3A_617 : vector<16xf32>
      %parallel_loop3A_619 = arith.addf %parallel_loop3A_615, %parallel_loop3A_618 : vector<16xf32>
      %parallel_loop3A_620 = arith.addi %parallel_loop3A_303, %parallel_loop3A_595 : vector<16xi32>
      %parallel_loop3A_621 = tpu.vector_load_idx %arg6[%parallel_loop3A_620] : memref<16384xf32, #tpu.memory_space<vmem>>[vector<16xi32>], vector<16xf32>,
      %parallel_loop3A_622 = arith.mulf %parallel_loop3A_424, %parallel_loop3A_621 : vector<16xf32>
      %parallel_loop3A_623 = arith.addf %parallel_loop3A_619, %parallel_loop3A_622 : vector<16xf32>
      %parallel_loop3A_624 = arith.addi %parallel_loop3A_306, %parallel_loop3A_595 : vector<16xi32>
      %parallel_loop3A_625 = tpu.vector_load_idx %arg6[%parallel_loop3A_624] : memref<16384xf32, #tpu.memory_space<vmem>>[vector<16xi32>], vector<16xf32>,
      %parallel_loop3A_626 = arith.mulf %parallel_loop3A_440, %parallel_loop3A_625 : vector<16xf32>
      %parallel_loop3A_627 = arith.addf %parallel_loop3A_623, %parallel_loop3A_626 : vector<16xf32>
      %parallel_loop3A_628 = arith.addi %parallel_loop3A_309, %parallel_loop3A_595 : vector<16xi32>
      %parallel_loop3A_629 = tpu.vector_load_idx %arg6[%parallel_loop3A_628] : memref<16384xf32, #tpu.memory_space<vmem>>[vector<16xi32>], vector<16xf32>,
      %parallel_loop3A_630 = arith.mulf %parallel_loop3A_456, %parallel_loop3A_629 : vector<16xf32>
      %parallel_loop3A_631 = arith.addf %parallel_loop3A_627, %parallel_loop3A_630 : vector<16xf32>
      tpu.vector_store_idx %arg9[%parallel_loop3A_49, %parallel_loop3A_595], %parallel_loop3A_631 : memref<2048x16xf32, #tpu.memory_space<vmem>>[vector<16xi32>, vector<16xi32>], vector<16xf32>,
      %parallel_loop3A_632 = arith.constant 4 : i32
      %parallel_loop3A_633 = vector.broadcast %parallel_loop3A_632 : i32 to vector<16xi32>
      %parallel_loop3A_634 = arith.addi %iota3A, %parallel_loop3A_633 : vector<16xi32>
      %parallel_loop3A_635 = arith.andi %parallel_loop3A_634, %broadcast_in_dim3A_28 : vector<16xi32>
      %parallel_loop3A_636 = arith.addi %parallel_loop3A_285, %parallel_loop3A_635 : vector<16xi32>
      %parallel_loop3A_637 = tpu.vector_load_idx %arg6[%parallel_loop3A_636] : memref<16384xf32, #tpu.memory_space<vmem>>[vector<16xi32>], vector<16xf32>,
      %parallel_loop3A_638 = arith.mulf %parallel_loop3A_328, %parallel_loop3A_637 : vector<16xf32>
      %parallel_loop3A_639 = arith.addf %parallel_loop3A_471, %parallel_loop3A_638 : vector<16xf32>
      %parallel_loop3A_640 = arith.addi %parallel_loop3A_288, %parallel_loop3A_635 : vector<16xi32>
      %parallel_loop3A_641 = tpu.vector_load_idx %arg6[%parallel_loop3A_640] : memref<16384xf32, #tpu.memory_space<vmem>>[vector<16xi32>], vector<16xf32>,
      %parallel_loop3A_642 = arith.mulf %parallel_loop3A_344, %parallel_loop3A_641 : vector<16xf32>
      %parallel_loop3A_643 = arith.addf %parallel_loop3A_639, %parallel_loop3A_642 : vector<16xf32>
      %parallel_loop3A_644 = arith.addi %parallel_loop3A_291, %parallel_loop3A_635 : vector<16xi32>
      %parallel_loop3A_645 = tpu.vector_load_idx %arg6[%parallel_loop3A_644] : memref<16384xf32, #tpu.memory_space<vmem>>[vector<16xi32>], vector<16xf32>,
      %parallel_loop3A_646 = arith.mulf %parallel_loop3A_360, %parallel_loop3A_645 : vector<16xf32>
      %parallel_loop3A_647 = arith.addf %parallel_loop3A_643, %parallel_loop3A_646 : vector<16xf32>
      %parallel_loop3A_648 = arith.addi %parallel_loop3A_294, %parallel_loop3A_635 : vector<16xi32>
      %parallel_loop3A_649 = tpu.vector_load_idx %arg6[%parallel_loop3A_648] : memref<16384xf32, #tpu.memory_space<vmem>>[vector<16xi32>], vector<16xf32>,
      %parallel_loop3A_650 = arith.mulf %parallel_loop3A_376, %parallel_loop3A_649 : vector<16xf32>
      %parallel_loop3A_651 = arith.addf %parallel_loop3A_647, %parallel_loop3A_650 : vector<16xf32>
      %parallel_loop3A_652 = arith.addi %parallel_loop3A_297, %parallel_loop3A_635 : vector<16xi32>
      %parallel_loop3A_653 = tpu.vector_load_idx %arg6[%parallel_loop3A_652] : memref<16384xf32, #tpu.memory_space<vmem>>[vector<16xi32>], vector<16xf32>,
      %parallel_loop3A_654 = arith.mulf %parallel_loop3A_392, %parallel_loop3A_653 : vector<16xf32>
      %parallel_loop3A_655 = arith.addf %parallel_loop3A_651, %parallel_loop3A_654 : vector<16xf32>
      %parallel_loop3A_656 = arith.addi %parallel_loop3A_300, %parallel_loop3A_635 : vector<16xi32>
      %parallel_loop3A_657 = tpu.vector_load_idx %arg6[%parallel_loop3A_656] : memref<16384xf32, #tpu.memory_space<vmem>>[vector<16xi32>], vector<16xf32>,
      %parallel_loop3A_658 = arith.mulf %parallel_loop3A_408, %parallel_loop3A_657 : vector<16xf32>
      %parallel_loop3A_659 = arith.addf %parallel_loop3A_655, %parallel_loop3A_658 : vector<16xf32>
      %parallel_loop3A_660 = arith.addi %parallel_loop3A_303, %parallel_loop3A_635 : vector<16xi32>
      %parallel_loop3A_661 = tpu.vector_load_idx %arg6[%parallel_loop3A_660] : memref<16384xf32, #tpu.memory_space<vmem>>[vector<16xi32>], vector<16xf32>,
      %parallel_loop3A_662 = arith.mulf %parallel_loop3A_424, %parallel_loop3A_661 : vector<16xf32>
      %parallel_loop3A_663 = arith.addf %parallel_loop3A_659, %parallel_loop3A_662 : vector<16xf32>
      %parallel_loop3A_664 = arith.addi %parallel_loop3A_306, %parallel_loop3A_635 : vector<16xi32>
      %parallel_loop3A_665 = tpu.vector_load_idx %arg6[%parallel_loop3A_664] : memref<16384xf32, #tpu.memory_space<vmem>>[vector<16xi32>], vector<16xf32>,
      %parallel_loop3A_666 = arith.mulf %parallel_loop3A_440, %parallel_loop3A_665 : vector<16xf32>
      %parallel_loop3A_667 = arith.addf %parallel_loop3A_663, %parallel_loop3A_666 : vector<16xf32>
      %parallel_loop3A_668 = arith.addi %parallel_loop3A_309, %parallel_loop3A_635 : vector<16xi32>
      %parallel_loop3A_669 = tpu.vector_load_idx %arg6[%parallel_loop3A_668] : memref<16384xf32, #tpu.memory_space<vmem>>[vector<16xi32>], vector<16xf32>,
      %parallel_loop3A_670 = arith.mulf %parallel_loop3A_456, %parallel_loop3A_669 : vector<16xf32>
      %parallel_loop3A_671 = arith.addf %parallel_loop3A_667, %parallel_loop3A_670 : vector<16xf32>
      tpu.vector_store_idx %arg9[%parallel_loop3A_49, %parallel_loop3A_635], %parallel_loop3A_671 : memref<2048x16xf32, #tpu.memory_space<vmem>>[vector<16xi32>, vector<16xi32>], vector<16xf32>,
      %parallel_loop3A_672 = arith.constant 5 : i32
      %parallel_loop3A_673 = vector.broadcast %parallel_loop3A_672 : i32 to vector<16xi32>
      %parallel_loop3A_674 = arith.addi %iota3A, %parallel_loop3A_673 : vector<16xi32>
      %parallel_loop3A_675 = arith.andi %parallel_loop3A_674, %broadcast_in_dim3A_28 : vector<16xi32>
      %parallel_loop3A_676 = arith.addi %parallel_loop3A_285, %parallel_loop3A_675 : vector<16xi32>
      %parallel_loop3A_677 = tpu.vector_load_idx %arg6[%parallel_loop3A_676] : memref<16384xf32, #tpu.memory_space<vmem>>[vector<16xi32>], vector<16xf32>,
      %parallel_loop3A_678 = arith.mulf %parallel_loop3A_328, %parallel_loop3A_677 : vector<16xf32>
      %parallel_loop3A_679 = arith.addf %parallel_loop3A_471, %parallel_loop3A_678 : vector<16xf32>
      %parallel_loop3A_680 = arith.addi %parallel_loop3A_288, %parallel_loop3A_675 : vector<16xi32>
      %parallel_loop3A_681 = tpu.vector_load_idx %arg6[%parallel_loop3A_680] : memref<16384xf32, #tpu.memory_space<vmem>>[vector<16xi32>], vector<16xf32>,
      %parallel_loop3A_682 = arith.mulf %parallel_loop3A_344, %parallel_loop3A_681 : vector<16xf32>
      %parallel_loop3A_683 = arith.addf %parallel_loop3A_679, %parallel_loop3A_682 : vector<16xf32>
      %parallel_loop3A_684 = arith.addi %parallel_loop3A_291, %parallel_loop3A_675 : vector<16xi32>
      %parallel_loop3A_685 = tpu.vector_load_idx %arg6[%parallel_loop3A_684] : memref<16384xf32, #tpu.memory_space<vmem>>[vector<16xi32>], vector<16xf32>,
      %parallel_loop3A_686 = arith.mulf %parallel_loop3A_360, %parallel_loop3A_685 : vector<16xf32>
      %parallel_loop3A_687 = arith.addf %parallel_loop3A_683, %parallel_loop3A_686 : vector<16xf32>
      %parallel_loop3A_688 = arith.addi %parallel_loop3A_294, %parallel_loop3A_675 : vector<16xi32>
      %parallel_loop3A_689 = tpu.vector_load_idx %arg6[%parallel_loop3A_688] : memref<16384xf32, #tpu.memory_space<vmem>>[vector<16xi32>], vector<16xf32>,
      %parallel_loop3A_690 = arith.mulf %parallel_loop3A_376, %parallel_loop3A_689 : vector<16xf32>
      %parallel_loop3A_691 = arith.addf %parallel_loop3A_687, %parallel_loop3A_690 : vector<16xf32>
      %parallel_loop3A_692 = arith.addi %parallel_loop3A_297, %parallel_loop3A_675 : vector<16xi32>
      %parallel_loop3A_693 = tpu.vector_load_idx %arg6[%parallel_loop3A_692] : memref<16384xf32, #tpu.memory_space<vmem>>[vector<16xi32>], vector<16xf32>,
      %parallel_loop3A_694 = arith.mulf %parallel_loop3A_392, %parallel_loop3A_693 : vector<16xf32>
      %parallel_loop3A_695 = arith.addf %parallel_loop3A_691, %parallel_loop3A_694 : vector<16xf32>
      %parallel_loop3A_696 = arith.addi %parallel_loop3A_300, %parallel_loop3A_675 : vector<16xi32>
      %parallel_loop3A_697 = tpu.vector_load_idx %arg6[%parallel_loop3A_696] : memref<16384xf32, #tpu.memory_space<vmem>>[vector<16xi32>], vector<16xf32>,
      %parallel_loop3A_698 = arith.mulf %parallel_loop3A_408, %parallel_loop3A_697 : vector<16xf32>
      %parallel_loop3A_699 = arith.addf %parallel_loop3A_695, %parallel_loop3A_698 : vector<16xf32>
      %parallel_loop3A_700 = arith.addi %parallel_loop3A_303, %parallel_loop3A_675 : vector<16xi32>
      %parallel_loop3A_701 = tpu.vector_load_idx %arg6[%parallel_loop3A_700] : memref<16384xf32, #tpu.memory_space<vmem>>[vector<16xi32>], vector<16xf32>,
      %parallel_loop3A_702 = arith.mulf %parallel_loop3A_424, %parallel_loop3A_701 : vector<16xf32>
      %parallel_loop3A_703 = arith.addf %parallel_loop3A_699, %parallel_loop3A_702 : vector<16xf32>
      %parallel_loop3A_704 = arith.addi %parallel_loop3A_306, %parallel_loop3A_675 : vector<16xi32>
      %parallel_loop3A_705 = tpu.vector_load_idx %arg6[%parallel_loop3A_704] : memref<16384xf32, #tpu.memory_space<vmem>>[vector<16xi32>], vector<16xf32>,
      %parallel_loop3A_706 = arith.mulf %parallel_loop3A_440, %parallel_loop3A_705 : vector<16xf32>
      %parallel_loop3A_707 = arith.addf %parallel_loop3A_703, %parallel_loop3A_706 : vector<16xf32>
      %parallel_loop3A_708 = arith.addi %parallel_loop3A_309, %parallel_loop3A_675 : vector<16xi32>
      %parallel_loop3A_709 = tpu.vector_load_idx %arg6[%parallel_loop3A_708] : memref<16384xf32, #tpu.memory_space<vmem>>[vector<16xi32>], vector<16xf32>,
      %parallel_loop3A_710 = arith.mulf %parallel_loop3A_456, %parallel_loop3A_709 : vector<16xf32>
      %parallel_loop3A_711 = arith.addf %parallel_loop3A_707, %parallel_loop3A_710 : vector<16xf32>
      tpu.vector_store_idx %arg9[%parallel_loop3A_49, %parallel_loop3A_675], %parallel_loop3A_711 : memref<2048x16xf32, #tpu.memory_space<vmem>>[vector<16xi32>, vector<16xi32>], vector<16xf32>,
      %parallel_loop3A_712 = arith.constant 6 : i32
      %parallel_loop3A_713 = vector.broadcast %parallel_loop3A_712 : i32 to vector<16xi32>
      %parallel_loop3A_714 = arith.addi %iota3A, %parallel_loop3A_713 : vector<16xi32>
      %parallel_loop3A_715 = arith.andi %parallel_loop3A_714, %broadcast_in_dim3A_28 : vector<16xi32>
      %parallel_loop3A_716 = arith.addi %parallel_loop3A_285, %parallel_loop3A_715 : vector<16xi32>
      %parallel_loop3A_717 = tpu.vector_load_idx %arg6[%parallel_loop3A_716] : memref<16384xf32, #tpu.memory_space<vmem>>[vector<16xi32>], vector<16xf32>,
      %parallel_loop3A_718 = arith.mulf %parallel_loop3A_328, %parallel_loop3A_717 : vector<16xf32>
      %parallel_loop3A_719 = arith.addf %parallel_loop3A_471, %parallel_loop3A_718 : vector<16xf32>
      %parallel_loop3A_720 = arith.addi %parallel_loop3A_288, %parallel_loop3A_715 : vector<16xi32>
      %parallel_loop3A_721 = tpu.vector_load_idx %arg6[%parallel_loop3A_720] : memref<16384xf32, #tpu.memory_space<vmem>>[vector<16xi32>], vector<16xf32>,
      %parallel_loop3A_722 = arith.mulf %parallel_loop3A_344, %parallel_loop3A_721 : vector<16xf32>
      %parallel_loop3A_723 = arith.addf %parallel_loop3A_719, %parallel_loop3A_722 : vector<16xf32>
      %parallel_loop3A_724 = arith.addi %parallel_loop3A_291, %parallel_loop3A_715 : vector<16xi32>
      %parallel_loop3A_725 = tpu.vector_load_idx %arg6[%parallel_loop3A_724] : memref<16384xf32, #tpu.memory_space<vmem>>[vector<16xi32>], vector<16xf32>,
      %parallel_loop3A_726 = arith.mulf %parallel_loop3A_360, %parallel_loop3A_725 : vector<16xf32>
      %parallel_loop3A_727 = arith.addf %parallel_loop3A_723, %parallel_loop3A_726 : vector<16xf32>
      %parallel_loop3A_728 = arith.addi %parallel_loop3A_294, %parallel_loop3A_715 : vector<16xi32>
      %parallel_loop3A_729 = tpu.vector_load_idx %arg6[%parallel_loop3A_728] : memref<16384xf32, #tpu.memory_space<vmem>>[vector<16xi32>], vector<16xf32>,
      %parallel_loop3A_730 = arith.mulf %parallel_loop3A_376, %parallel_loop3A_729 : vector<16xf32>
      %parallel_loop3A_731 = arith.addf %parallel_loop3A_727, %parallel_loop3A_730 : vector<16xf32>
      %parallel_loop3A_732 = arith.addi %parallel_loop3A_297, %parallel_loop3A_715 : vector<16xi32>
      %parallel_loop3A_733 = tpu.vector_load_idx %arg6[%parallel_loop3A_732] : memref<16384xf32, #tpu.memory_space<vmem>>[vector<16xi32>], vector<16xf32>,
      %parallel_loop3A_734 = arith.mulf %parallel_loop3A_392, %parallel_loop3A_733 : vector<16xf32>
      %parallel_loop3A_735 = arith.addf %parallel_loop3A_731, %parallel_loop3A_734 : vector<16xf32>
      %parallel_loop3A_736 = arith.addi %parallel_loop3A_300, %parallel_loop3A_715 : vector<16xi32>
      %parallel_loop3A_737 = tpu.vector_load_idx %arg6[%parallel_loop3A_736] : memref<16384xf32, #tpu.memory_space<vmem>>[vector<16xi32>], vector<16xf32>,
      %parallel_loop3A_738 = arith.mulf %parallel_loop3A_408, %parallel_loop3A_737 : vector<16xf32>
      %parallel_loop3A_739 = arith.addf %parallel_loop3A_735, %parallel_loop3A_738 : vector<16xf32>
      %parallel_loop3A_740 = arith.addi %parallel_loop3A_303, %parallel_loop3A_715 : vector<16xi32>
      %parallel_loop3A_741 = tpu.vector_load_idx %arg6[%parallel_loop3A_740] : memref<16384xf32, #tpu.memory_space<vmem>>[vector<16xi32>], vector<16xf32>,
      %parallel_loop3A_742 = arith.mulf %parallel_loop3A_424, %parallel_loop3A_741 : vector<16xf32>
      %parallel_loop3A_743 = arith.addf %parallel_loop3A_739, %parallel_loop3A_742 : vector<16xf32>
      %parallel_loop3A_744 = arith.addi %parallel_loop3A_306, %parallel_loop3A_715 : vector<16xi32>
      %parallel_loop3A_745 = tpu.vector_load_idx %arg6[%parallel_loop3A_744] : memref<16384xf32, #tpu.memory_space<vmem>>[vector<16xi32>], vector<16xf32>,
      %parallel_loop3A_746 = arith.mulf %parallel_loop3A_440, %parallel_loop3A_745 : vector<16xf32>
      %parallel_loop3A_747 = arith.addf %parallel_loop3A_743, %parallel_loop3A_746 : vector<16xf32>
      %parallel_loop3A_748 = arith.addi %parallel_loop3A_309, %parallel_loop3A_715 : vector<16xi32>
      %parallel_loop3A_749 = tpu.vector_load_idx %arg6[%parallel_loop3A_748] : memref<16384xf32, #tpu.memory_space<vmem>>[vector<16xi32>], vector<16xf32>,
      %parallel_loop3A_750 = arith.mulf %parallel_loop3A_456, %parallel_loop3A_749 : vector<16xf32>
      %parallel_loop3A_751 = arith.addf %parallel_loop3A_747, %parallel_loop3A_750 : vector<16xf32>
      tpu.vector_store_idx %arg9[%parallel_loop3A_49, %parallel_loop3A_715], %parallel_loop3A_751 : memref<2048x16xf32, #tpu.memory_space<vmem>>[vector<16xi32>, vector<16xi32>], vector<16xf32>,
      %parallel_loop3A_752 = arith.constant 7 : i32
      %parallel_loop3A_753 = vector.broadcast %parallel_loop3A_752 : i32 to vector<16xi32>
      %parallel_loop3A_754 = arith.addi %iota3A, %parallel_loop3A_753 : vector<16xi32>
      %parallel_loop3A_755 = arith.andi %parallel_loop3A_754, %broadcast_in_dim3A_28 : vector<16xi32>
      %parallel_loop3A_756 = arith.addi %parallel_loop3A_285, %parallel_loop3A_755 : vector<16xi32>
      %parallel_loop3A_757 = tpu.vector_load_idx %arg6[%parallel_loop3A_756] : memref<16384xf32, #tpu.memory_space<vmem>>[vector<16xi32>], vector<16xf32>,
      %parallel_loop3A_758 = arith.mulf %parallel_loop3A_328, %parallel_loop3A_757 : vector<16xf32>
      %parallel_loop3A_759 = arith.addf %parallel_loop3A_471, %parallel_loop3A_758 : vector<16xf32>
      %parallel_loop3A_760 = arith.addi %parallel_loop3A_288, %parallel_loop3A_755 : vector<16xi32>
      %parallel_loop3A_761 = tpu.vector_load_idx %arg6[%parallel_loop3A_760] : memref<16384xf32, #tpu.memory_space<vmem>>[vector<16xi32>], vector<16xf32>,
      %parallel_loop3A_762 = arith.mulf %parallel_loop3A_344, %parallel_loop3A_761 : vector<16xf32>
      %parallel_loop3A_763 = arith.addf %parallel_loop3A_759, %parallel_loop3A_762 : vector<16xf32>
      %parallel_loop3A_764 = arith.addi %parallel_loop3A_291, %parallel_loop3A_755 : vector<16xi32>
      %parallel_loop3A_765 = tpu.vector_load_idx %arg6[%parallel_loop3A_764] : memref<16384xf32, #tpu.memory_space<vmem>>[vector<16xi32>], vector<16xf32>,
      %parallel_loop3A_766 = arith.mulf %parallel_loop3A_360, %parallel_loop3A_765 : vector<16xf32>
      %parallel_loop3A_767 = arith.addf %parallel_loop3A_763, %parallel_loop3A_766 : vector<16xf32>
      %parallel_loop3A_768 = arith.addi %parallel_loop3A_294, %parallel_loop3A_755 : vector<16xi32>
      %parallel_loop3A_769 = tpu.vector_load_idx %arg6[%parallel_loop3A_768] : memref<16384xf32, #tpu.memory_space<vmem>>[vector<16xi32>], vector<16xf32>,
      %parallel_loop3A_770 = arith.mulf %parallel_loop3A_376, %parallel_loop3A_769 : vector<16xf32>
      %parallel_loop3A_771 = arith.addf %parallel_loop3A_767, %parallel_loop3A_770 : vector<16xf32>
      %parallel_loop3A_772 = arith.addi %parallel_loop3A_297, %parallel_loop3A_755 : vector<16xi32>
      %parallel_loop3A_773 = tpu.vector_load_idx %arg6[%parallel_loop3A_772] : memref<16384xf32, #tpu.memory_space<vmem>>[vector<16xi32>], vector<16xf32>,
      %parallel_loop3A_774 = arith.mulf %parallel_loop3A_392, %parallel_loop3A_773 : vector<16xf32>
      %parallel_loop3A_775 = arith.addf %parallel_loop3A_771, %parallel_loop3A_774 : vector<16xf32>
      %parallel_loop3A_776 = arith.addi %parallel_loop3A_300, %parallel_loop3A_755 : vector<16xi32>
      %parallel_loop3A_777 = tpu.vector_load_idx %arg6[%parallel_loop3A_776] : memref<16384xf32, #tpu.memory_space<vmem>>[vector<16xi32>], vector<16xf32>,
      %parallel_loop3A_778 = arith.mulf %parallel_loop3A_408, %parallel_loop3A_777 : vector<16xf32>
      %parallel_loop3A_779 = arith.addf %parallel_loop3A_775, %parallel_loop3A_778 : vector<16xf32>
      %parallel_loop3A_780 = arith.addi %parallel_loop3A_303, %parallel_loop3A_755 : vector<16xi32>
      %parallel_loop3A_781 = tpu.vector_load_idx %arg6[%parallel_loop3A_780] : memref<16384xf32, #tpu.memory_space<vmem>>[vector<16xi32>], vector<16xf32>,
      %parallel_loop3A_782 = arith.mulf %parallel_loop3A_424, %parallel_loop3A_781 : vector<16xf32>
      %parallel_loop3A_783 = arith.addf %parallel_loop3A_779, %parallel_loop3A_782 : vector<16xf32>
      %parallel_loop3A_784 = arith.addi %parallel_loop3A_306, %parallel_loop3A_755 : vector<16xi32>
      %parallel_loop3A_785 = tpu.vector_load_idx %arg6[%parallel_loop3A_784] : memref<16384xf32, #tpu.memory_space<vmem>>[vector<16xi32>], vector<16xf32>,
      %parallel_loop3A_786 = arith.mulf %parallel_loop3A_440, %parallel_loop3A_785 : vector<16xf32>
      %parallel_loop3A_787 = arith.addf %parallel_loop3A_783, %parallel_loop3A_786 : vector<16xf32>
      %parallel_loop3A_788 = arith.addi %parallel_loop3A_309, %parallel_loop3A_755 : vector<16xi32>
      %parallel_loop3A_789 = tpu.vector_load_idx %arg6[%parallel_loop3A_788] : memref<16384xf32, #tpu.memory_space<vmem>>[vector<16xi32>], vector<16xf32>,
      %parallel_loop3A_790 = arith.mulf %parallel_loop3A_456, %parallel_loop3A_789 : vector<16xf32>
      %parallel_loop3A_791 = arith.addf %parallel_loop3A_787, %parallel_loop3A_790 : vector<16xf32>
      tpu.vector_store_idx %arg9[%parallel_loop3A_49, %parallel_loop3A_755], %parallel_loop3A_791 : memref<2048x16xf32, #tpu.memory_space<vmem>>[vector<16xi32>, vector<16xi32>], vector<16xf32>,
    } {sc.loop_unroll_factor = 2 : i64, sc.parallel_access}
    %mul3A_43 = arith.constant 16 : i32
    %mul3A_44 = arith.muli %rem3A_18, %mul3A_43 : i32
    "tpu.region"() ({
      %run_scoped3A = tpu.sem_alloc : memref<!tpu.dma_semaphore, #tpu.memory_space<semaphore_mem>>
      %dma_start3A_45 = tpu.memref_slice %arg4[%mul3A_20, %mul3A_44] : memref<16384x64xf32, #tpu.memory_space<hbm>> -> memref<2048x16xf32, #tpu.memory_space<hbm>>
      %dma_start3A_46 = tpu.memref_slice %arg4[%mul3A_20, %mul3A_44] : memref<16384x64xf32, #tpu.memory_space<hbm>> -> memref<2048x16xf32, #tpu.memory_space<hbm>>
      tpu.enqueue_dma source(%arg9 : memref<2048x16xf32, #tpu.memory_space<vmem>>) target(%dma_start3A_46 : memref<2048x16xf32, #tpu.memory_space<hbm>>) target_semaphore(%run_scoped3A : memref<!tpu.dma_semaphore, #tpu.memory_space<semaphore_mem>>)
      %dma_wait3A_47 = tpu.memref_slice %arg4[%mul3A_20, %mul3A_44] : memref<16384x64xf32, #tpu.memory_space<hbm>> -> memref<2048x16xf32, #tpu.memory_space<hbm>>
      %dma_wait3A_48 = tpu.memref_slice %arg4[%mul3A_20, %mul3A_44] : memref<16384x64xf32, #tpu.memory_space<hbm>> -> memref<2048x16xf32, #tpu.memory_space<hbm>>
      tpu.wait_dma2 semaphore(%run_scoped3A : memref<!tpu.dma_semaphore, #tpu.memory_space<semaphore_mem>>) src(%arg9 : memref<2048x16xf32, #tpu.memory_space<vmem>>) dst(%dma_wait3A_48 : memref<2048x16xf32, #tpu.memory_space<hbm>>)
      tpu.yield
    }) : () -> ()
    return
  }
}

</mosaic_0001>

<sc_bundles>
// kernel: kernel.3.cloned.1.call-start
scs
__scs_entry_jumppad:
0x0: {  	(pc) =	sbr.rel $0x88, $3  }
0x1: {  	(tag) =	ssettag $0x0;
	lr =	simm.s32 $0x1  }
0x2: {  	[smem:$0x3F9F] =	sst lr;
	_ =	strace $0xD0000000  }
0x3: {  	_ = 	snop  }
0x4: {  	_ = 	snop  }
0x5: {  	_ = 	snop  }
0x6: {  	_ = 	snop  }
0x7: {  	_ = 	snop  }
__scs_overlays_trampoline_lowered:
0x8: {  	[smem:$0x3FAE] =	sst s0  }
0x9: {  	[smem:$0x3FAF] =	sst s1  }
0xa: {  	[smem:$0x3FB0] =	sst s2  }
0xb: {  	[smem:$0x3FB1] =	sst s3  }
0xc: {  	[smem:$0x3FB2] =	sst s4  }
0xd: {  	[smem:$0x3FB3] =	sst s5  }
0xe: {  	[smem:$0x3FB4] =	sst s6  }
0xf: {  	[smem:$0x3FB5] =	sst s7  }
0x10: {  	[smem:$0x3FB6] =	sst s8  }
0x11: {  	[smem:$0x3FB7] =	sst s9;
	s0 =	simm.s32 @!p0 $0x0  }
0x12: {  	s1 =	sld [smem:$0x3F9D];
	s0 =	simm.s32 @p0 $0x1  }
0x13: {  	[smem:$0x3FB8] =	sst s0;
	s0 =	simm.s32 @!p1 $0x0  }
0x14: {  	s2 =	sld [smem:$0x3F9C];
	s0 =	simm.s32 @p1 $0x1  }
0x15: {  	[smem:$0x3FB9] =	sst s0;
	s0 =	simm.s32 @!p2 $0x0  }
0x16: {  	s3 =	sld [smem:$0x3FDB];
	s0 =	simm.s32 @p2 $0x1  }
0x17: {  	s4 =	simm.s32 $0x1BF5;
	[smem:$0x3FBB] =	sst s0  }
0x18: {  	s0 =	sld [smem:$0x3F9E];
	_ =	swait.ge [sflag:s4], $0x0  }
0x19: {  	s7 =	sld [smem:$0x3F9F]  }
0x1a: {  	s8 =	sadd.s32 $0xFFFFE003, lr  }
0x1b: {  	s9 =	sadd.s32 $0xFFFFFEF7, lr;
	s5 =	simm.s32 $0xFFFFFFFF;
	p2 =	slt.u32 s8, $0xFFFFF086  }
0x1c: {  	p1 =	slt.u32 s9, $0xF7A;
	s5 =	simm.s32 @!p2 $0x0  }
0x1d: {  	s5 =	simm.s32 @p1 $0x1;
	p0 =	seq.s32 s7, s2  }
0x1e: {  	s7 =	smul.u32 @!p0 $0xF7A, s2;
	p2 =	seq.s32 @!p0 s5, $0x0  }
0x1f: {  	s9 =	smul.u32 $0xF7A, s1;
	s8 =	simm.s32 @!p0 $0x1BF5;
	p2 =	por !p2, p0  }
0x20: {  	[sflag:s8] =	ssyncset.s32 @!p0 $0xFFFFF086;
	s6 =	sadd.s32 @!p0 s3, s7;
	s7 =	simm.s32 @!p0 $0x108  }
0x21: {  	s3 =	sadd.s32 s3, s9;
	s6 =	sadd.s32 @!p0 $0x88, s6;
	s7 =	simm.s32 @p2 $0x1082  }
0x22: {  	[simem:s7], [sflag:s8] =	dma.local @!p0 [hbm:s6], $0xF7A  }
0x23: {  	s9 =	sor.u32 $0xD0000000, s2;
	s6 =	simm.s32 $0x108;
	_ =	swait.ge @!p0 [sflag:s8], $0x0  }
0x24: {  	s3 =	sadd.s32 $0x88, s3;
	s6 =	simm.s32 @!p1 $0x1082;
	[sflag:s4] =	ssyncset.s32 $0xFFFFF086  }
0x25: {  	[simem:s6], [sflag:s4] =	dma.local [hbm:s3], $0xF7A  }
0x26: {  	[smem:$0x3F9F] =	sst s1;
	(tag) =	ssettag s2;
	_ =	strace s9  }
0x27: {  	s1 =	sld [smem:$0x3FAF]  }
0x28: {  	s2 =	sld [smem:$0x3FB0]  }
0x29: {  	s4 =	sld [smem:$0x3FB2]  }
0x2a: {  	p0 =	seq.s32 s5, $0x0;
	s5 =	sld [smem:$0x3FB3]  }
0x2b: {  	s6 =	sld [smem:$0x3FB4]  }
0x2c: {  	s7 =	sld [smem:$0x3FB5]  }
0x2d: {  	s3 =	simm.s32 $0x108;
	s8 =	sld [smem:$0x3FB6]  }
0x2e: {  	s3 =	simm.s32 @!p0 $0x1082;
	s9 =	sld [smem:$0x3FB7]  }
0x2f: {  	lr =	sadd.s32 s0, s3;
	s0 =	sld [smem:$0x3FAE]  }
0x30: {  	s3 =	sld [smem:$0x3FB1]  }
0x31: {  	[smem:$0x3FBA] =	sst s10  }
0x32: {  	s10 =	sld [smem:$0x3FB8];
	_ =	sdelay $0x3  }
0x33: {  	p0 =	seq.s32 s10, $0x1;
	s10 =	sld [smem:$0x3FBA];
	_ =	sdelay $0x3  }
0x34: {  	[smem:$0x3FBA] =	sst s10  }
0x35: {  	s10 =	sld [smem:$0x3FB9];
	_ =	sdelay $0x3  }
0x36: {  	p1 =	seq.s32 s10, $0x1;
	s10 =	sld [smem:$0x3FBA];
	_ =	sdelay $0x3  }
0x37: {  	[smem:$0x3FBA] =	sst s10  }
0x38: {  	s10 =	sld [smem:$0x3FBB]  }
0x39: {  	_ = 	snop;
	(pc) =	sbr.ind lr, $3  }
0x3a: {  	_ = 	snop  }
0x3b: {  	_ = 	snop  }
0x3c: {  	p2 =	seq.s32 s10, $0x1;
	s10 =	sld [smem:$0x3FBA]  }
0x3d: {  	_ =	shalt  }
0x3e: {  	_ =	shalt  }
0x3f: {  	_ =	shalt  }
0x40: {  	_ =	shalt  }
0x41: {  	_ =	shalt  }
0x42: {  	_ =	shalt  }
0x43: {  	_ =	shalt  }
0x44: {  	_ =	shalt  }
0x45: {  	_ =	shalt  }
0x46: {  	_ =	shalt  }
0x47: {  	_ =	shalt  }
0x48: {  	_ =	shalt  }
0x49: {  	_ =	shalt  }
0x4a: {  	_ =	shalt  }
0x4b: {  	_ =	shalt  }
0x4c: {  	_ =	shalt  }
0x4d: {  	_ =	shalt  }
0x4e: {  	_ =	shalt  }
0x4f: {  	_ =	shalt  }
0x50: {  	_ =	shalt  }
0x51: {  	_ =	shalt  }
0x52: {  	_ =	shalt  }
0x53: {  	_ =	shalt  }
0x54: {  	_ =	shalt  }
0x55: {  	_ =	shalt  }
0x56: {  	_ =	shalt  }
0x57: {  	_ =	shalt  }
0x58: {  	_ =	shalt  }
0x59: {  	_ =	shalt  }
0x5a: {  	_ =	shalt  }
0x5b: {  	_ =	shalt  }
0x5c: {  	_ =	shalt  }
0x5d: {  	_ =	shalt  }
0x5e: {  	_ =	shalt  }
0x5f: {  	_ =	shalt  }
0x60: {  	_ =	shalt  }
0x61: {  	_ =	shalt  }
0x62: {  	_ =	shalt  }
0x63: {  	_ =	shalt  }
0x64: {  	_ =	shalt  }
0x65: {  	_ =	shalt  }
0x66: {  	_ =	shalt  }
0x67: {  	_ =	shalt  }
0x68: {  	_ =	shalt  }
0x69: {  	_ =	shalt  }
0x6a: {  	_ =	shalt  }
0x6b: {  	_ =	shalt  }
0x6c: {  	_ =	shalt  }
0x6d: {  	_ =	shalt  }
0x6e: {  	_ =	shalt  }
0x6f: {  	_ =	shalt  }
0x70: {  	_ =	shalt  }
0x71: {  	_ =	shalt  }
0x72: {  	_ =	shalt  }
0x73: {  	_ =	shalt  }
0x74: {  	_ =	shalt  }
0x75: {  	_ =	shalt  }
0x76: {  	_ =	shalt  }
0x77: {  	_ =	shalt  }
0x78: {  	_ =	shalt  }
0x79: {  	_ =	shalt  }
0x7a: {  	_ =	shalt  }
0x7b: {  	_ =	shalt  }
0x7c: {  	_ =	shalt  }
0x7d: {  	_ =	shalt  }
0x7e: {  	_ =	shalt  }
0x7f: {  	_ =	shalt  }
0x80: {  	_ =	shalt  }
0x81: {  	_ =	shalt  }
0x82: {  	_ =	shalt  }
0x83: {  	_ =	shalt  }
0x84: {  	_ =	shalt  }
0x85: {  	_ =	shalt  }
0x86: {  	_ =	shalt  }
0x87: {  	_ =	shalt  }
.Lfunc_end0:
.L_simem_size_0:
called_computation_lowered:
.L_overlay_start_0:
0x88: {  	s2 =	sld [smem:$0x3FD9]  }
0x89: {  	s3 =	sld [smem:$0x3FFE];
	_ =	sdelay $0x1  }
0x8a: {  	s1 =	srdreg.scid  }
0x8b: {  	s0 =	sand.u32 $0x1, s1  }
0x8c: {  	s17 =	sshll.u32 s0, $0xA;
	s2 =	sadd.s32 s3, s2  }
0x8d: {  	s2 =	sadd.s32 s2, s17  }
0x8e: {  	[smem:$0x3FC6] =	sst s2  }
0x8f: {  	_ = 	snop  }
0x90: {  	s2 =	sld [smem:$0x3FD0];
	(tm) =	ssettm $0x1  }
0x91: {  	s18 =	sld [smem:$0x3FFB];
	_ =	sdelay $0x3  }
0x92: {  	_ =	strace s18  }
0x93: {  	s3 =	sld [smem:$0x3FFC];
	_ =	sdelay $0x3  }
0x94: {  	_ =	strace s3  }
0x95: {  	s3 =	sld [smem:$0x3FFD];
	_ =	sdelay $0x3  }
0x96: {  	_ =	strace s3  }
0x97: {  	_ =	strace $0x8FFFFFFF  }
0x98: {  	s19 =	sld [smem:$0x3FDB];
	_ =	sdelay $0x1  }
0x99: {  	s4 =	simm.s32 $_scs_section_size  }
0x9a: {  	s5 =	simm.s32 $_size__tile_overlayer_lowered;
	s6 =	simm.s32 $_tile_overlayer_lowered  }
0x9b: {  	s22 =	simm.s32 $0x1BFF;
	s21 =	sshll.u32 s6, $0x1;
	s3 =	sadd.s32 s4, s19  }
0x9c: {  	s7 =	simm.s32 $0x0;
	s20 =	sshll.u32 s5, $0x1;
	s5 =	sadd.s32 s21, s3  }
0x9d: {  	[timem:s7], [sflag:s22] =	dma.local [hbm:s5], s20  }
0x9e: {  	_ =	swait.ge [sflag:s22], s20  }
0x9f: {  	s4 =	ssub.s32 $0x0, s20;
	[sflag:s22] =	ssyncset.done $0x0  }
0xa0: {  	[sflag:s22] =	ssyncadd.s32 s4;
	_ =	sdelay $0x1  }
0xa1: {  	s23 =	simm.s32 $0x1B8B  }
0xa2: {  	_ =	swait.ge [sflag:s23], $0x1  }
0xa3: {  	[sflag:s23] =	ssyncset.done $0x0  }
0xa4: {  	s25 =	simm.s32 $0x1B8E;
	s24 =	sld [smem:$0x3FFE];
	[sflag:s23] =	ssyncadd.s32 $0xFFFFFFFF  }
0xa5: {  	s26 =	simm.s32 $execute0_lowered;
	[smem:$0x3FD2] =	sst s25  }
0xa6: {  	s5 =	sshll.u32 s26, $0x1;
	_ =	strace $0x80000046;
	[dreg:$0x1] =	wrdreg $0xFFFFFFFF  }
0xa7: {  	s28 =	simm.s32 $_size_execute0_lowered;
	s3 =	sadd.s32 s3, s5;
	[dreg:$0x0] =	wrdreg $0x0  }
0xa8: {  	s5 =	sshll.u32 s28, $0x1;
	[dreg:$0x2] =	wrdreg s3  }
0xa9: {  	[dreg:$0x3] =	wrdreg s5  }
0xaa: {  	[dreg:$0x4] =	wrdreg $0xC0  }
0xab: {  	_ =	task [dreg:s7], $0x5FFFF  }
0xac: {  	[dreg:$0x1] =	wrdreg $0xFFFFFFFF  }
0xad: {  	[dreg:$0x0] =	wrdreg $0x60  }
0xae: {  	[dreg:$0x2] =	wrdreg s24  }
0xaf: {  	[dreg:$0x3] =	wrdreg s2  }
0xb0: {  	[dreg:$0x4] =	wrdreg $0x9  }
0xb1: {  	_ =	task.clear_ibuf [dreg:s7], $0x5FFFF;
	_ =	strace $0x90000046  }
0xb2: {  	s29 =	simm.s32 $0x9;
	_ =	strace $0x80000048  }
0xb3: {  	_ =	swait.ge [sflag:s29], $0x1  }
0xb4: {  	[sflag:s29] =	ssyncadd.s32 $0xFFFFFFFF  }
0xb5: {  	_ =	strace $0x90000048  }
0xb6: {  	_ =	sfence  }
0xb7: {  	s30 =	sld [smem:$0x0];
	_ =	sdelay $0x2  }
0xb8: {  	s31 =	sshll.u32 s1, $0xD;
	s1 =	sshrl.u32 s1, $0x2  }
0xb9: {  	s3 =	sand.u32 $0x4000, s31;
	s1 =	sadd.s32 s1, s30  }
0xba: {  	s0 =	sor.u32 s3, s0;
	s1 =	sshll.u32 s1, $0x11  }
0xbb: {  	s0 =	sor.u32 s1, s0  }
0xbc: {  	s0 =	sadd.s32 $0x8F2B, s0  }
0xbd: {  	[sflag:s0] =	ssyncadd.remote.s32 $0x1  }
0xbe: {  	_ =	sfence.sel $0xFFFF  }
0xbf: {  	[dreg:$0x0] =	wrdreg $0xFFFFFFFF;
	(pc) =	sbr.abs _section_cstart, $3  }
0xc0: {  	[dreg:$0x1] =	wrdreg $0xFFFFFFFF  }
0xc1: {  	_ =	task.clear_ibuf [dreg:s7], $0x2FFFF;
	_ =	strace $0x9FFFFFFF  }
0xc2: {  	(tm) =	ssettm $0x7FFFFFFF  }
0xc3: {  	_ =	shalt  }
tec
execute0_lowered:
.L_overlay_start_1:
0x0: {  	(tag) =	ssettag $0x1  }
0x1: {  	v0 =	vlaneseq.u32;
	v3 =	vimm.s32 $0x1070503;
	v25 =	vimm.s32 $0x1  }
0x2: {  	v26 =	vimm.s32 $0x2;
	v27 =	vimm.s32 $0x4;
	v29 =	vimm.s32 $0x10  }
0x3: {  	v28 =	vimm.s32 $0x8;
	v30 =	vimm.s32 $0x20;
	v4 =	vimm.s32 $0x10FEDCBA  }
0x4: {  	v5 =	vimm.s32 $0x98765432;
	v7 =	vimm.s32 $0x210FEDCB;
	v8 =	vimm.s32 $0xA9876543  }
0x5: {  	v9 =	vimm.s32 $0x3210FEDC;
	v10 =	vimm.s32 $0xBA987654;
	v31 =	vimm.s32 $0x40  }
0x6: {  	v21 =	vimm.s32 $0x6543210F;
	v22 =	vimm.s32 $0xEDCBA987;
	v39 =	vimm.s32 $0x80  }
0x7: {  	v40 =	vimm.s32 $0x100;
	v41 =	vimm.s32 $0x200;
	v1 =	vand.u32 $0x3, v0  }
0x8: {  	v11 =	vmul.u32 $0xA, v0;
	v16 =	vunpack.c.0.s8.s32 v3;
	v3 =	vimm.s32 $0x3010705  }
0x9: {  	v4 =	vunpack.c.l.s4.s8 v4;
	v5 =	vunpack.c.l.s4.s8 v5;
	v7 =	vunpack.c.l.s4.s8 v7  }
0xa: {  	v8 =	vunpack.c.l.s4.s8 v8;
	v9 =	vunpack.c.l.s4.s8 v9;
	v10 =	vunpack.c.l.s4.s8 v10  }
0xb: {  	v21 =	vunpack.c.l.s4.s8 v21;
	v22 =	vunpack.c.l.s4.s8 v22;
	v2 =	vmul.u32 $0x2, v1  }
0xc: {  	v1 =	vimm.s32 $0x60402;
	v20 =	vunpack.c.0.s8.s32 v3;
	v3 =	vimm.s32 $0x5030107  }
0xd: {  	s6 =	rddreg [dreg:$0x0];
	s2 =	simm.s32 $0x0;
	v6 =	vor.u32 $0x1, v11;
	v13 =	vadd.s32 $0x2, v11;
	v14 =	vunpack.c.0.s8.s32 v1  }
0xe: {  	[smem:$0x7FF] =	sst s2;
	v15 =	vadd.s32 $0x3, v11;
	v17 =	vadd.s32 $0x4, v11;
	v1 =	vimm.s32 $0x2000604  }
0xf: {  	s7 =	rddreg [dreg:$0x1];
	_ =	strace $0x80000047;
	v61 =	vunpack.c.0.s8.s32 v3;
	[tilespmem:$0x1FF10] =	vst v11;
	v18 =	vunpack.c.0.s8.s32 v1;
	v1 =	vimm.s32 $0x4020006  }
0x10: {  	v3 =	vimm.s32 $0x87654321;
	[tilespmem:$0x1FF40] =	vst v16;
	v59 =	vunpack.c.0.s8.s32 v1;
	v1 =	vimm.s32 $0xFEDCBA9  }
0x11: {  	s0 =	srdreg.scid;
	v19 =	vadd.s32 $0x5, v11;
	v3 =	vunpack.c.l.s4.s8 v3;
	[tilespmem:$0x1FEF0] =	vst v6;
	v1 =	vunpack.c.l.s4.s8 v1  }
0x12: {  	s4 =	sand.u32 $0x1, s0;
	v60 =	vadd.s32 $0x7, v11;
	v62 =	vadd.s32 $0x8, v11;
	v63 =	vadd.s32 $0x9, v11;
	[tilespmem:$0x1FF00] =	vst v2  }
0x13: {  	s29 =	stileid.u32;
	s1 =	sshll.u32 s4, $0x4;
	v4 =	vunpack.c.0.s8.s32 v4;
	[tilespmem:$0x1FF30] =	vst v13;
	v3 =	vunpack.c.0.s8.s32 v3;
	v1 =	vunpack.c.0.s8.s32 v1  }
0x14: {  	s5 =	sand.u32 $0x3, s29;
	s1 =	sor.u32 s29, s1;
	v5 =	vunpack.c.0.s8.s32 v5;
	v7 =	vunpack.c.0.s8.s32 v7;
	v8 =	vunpack.c.0.s8.s32 v8;
	[tilespmem:$0x1FF50] =	vst v17  }
0x15: {  	p1 =	sne.s32 s5, $0x0;
	v9 =	vunpack.c.0.s8.s32 v9;
	v10 =	vunpack.c.0.s8.s32 v10;
	p0 =	seq.s32 s1, $0x0;
	[tilespmem:$0x1FF70] =	vst v15;
	v1 =	vcombine.low v3, v1  }
0x16: {  	s3 =	simm.s32 $0x1;
	s12 =	simm.s32 $0x10;
	v21 =	vunpack.c.0.s8.s32 v21;
	[tilespmem:$0x1FF90] =	vst v19;
	p0 =	por !p1, !p0;
	v3 =	vcombine.low v5, v4;
	v4 =	vcombine.low v8, v7  }
0x17: {  	s13 =	simm.s32 $0x40;
	s14 =	simm.s32 $0x2;
	[tilespmem:$0x1FFB0] =	vst v60;
	p0 =	por !p0, !p0;
	v5 =	vcombine.low v10, v9;
	v7 =	vimm.s32 $0x43210FED;
	v8 =	vimm.s32 $0xCBA98765  }
0x18: {  	s15 =	simm.s32 $0x0;
	s8 =	sshrl.u32 s1, $0x2;
	[tilespmem:$0x1FFD0] =	vst v62;
	s3 =	simm.s32 @!p0 $0x0;
	v9 =	vimm.s32 $0x543210FE;
	v10 =	vimm.s32 $0xDCBA9876;
	v7 =	vunpack.c.l.s4.s8 v7  }
0x19: {  	s10 =	smul.u32 $0x7FC, s5;
	s4 =	ssub.s32 $0x2, s4;
	[tilespmem:$0x1FFE0] =	vst v63;
	s8 =	ssub.s32 s8, s3;
	v8 =	vunpack.c.l.s4.s8 v8;
	v9 =	vunpack.c.l.s4.s8 v9;
	v10 =	vunpack.c.l.s4.s8 v10  }
0x1a: {  	s5 =	sshll.u32 s5, $0x4;
	s11 =	sshrl.u32 s4, $0x1;
	v22 =	vunpack.c.0.s8.s32 v22;
	v12 =	vor.u32 $0x1, v2;
	[tilespmem:$0x1FFF0] =	vst v20;
	s9 =	smul.u32 $0x5000, s8;
	v7 =	vunpack.c.0.s8.s32 v7  }
0x1b: {  	s30 =	ssub.s32 s4, s11;
	s11 =	simm.s32 $0x10FE0;
	[tilespmem:$0x1FF20] =	vst v12;
	s8 =	sshll.u32 s8, $0x11;
	v8 =	vunpack.c.0.s8.s32 v8;
	v9 =	vunpack.c.0.s8.s32 v9;
	v10 =	vunpack.c.0.s8.s32 v10  }
0x1c: {  	v58 =	vmul.u32 $0x10, v0;
	[tilespmem:$0x1FF60] =	vst v14;
	s3 =	simm.s32 $0x1;
	s5 =	sor.u32 s5, s8;
	s9 =	sshrl.u32 s9, $0x3;
	v32 =	vand.u32 $0xF, v1;
	v1 =	vcombine.low v22, v21  }
0x1d: {  	v24 =	vadd.s32 $0x6, v11;
	[tilespmem:$0x1FFC0] =	vst v61;
	s8 =	simm.s32 $0xBFE0;
	s31 =	sshrl.u32 s5, $0x3;
	s9 =	sadd.s32 s9, s6;
	v7 =	vcombine.low v8, v7;
	v8 =	vcombine.low v10, v9  }
0x1e: {  	[tilespmem:$0x1FF80] =	vst v18;
	s6 =	sadd.s32 s10, s6;
	s10 =	simm.s32 $0x4000;
	v33 =	vand.u32 $0xF, v3;
	v34 =	vand.u32 $0xF, v4;
	v35 =	vand.u32 $0xF, v5;
	s4 =	sadd.s32 $0x2600, s9  }
0x1f: {  	[tilespmem:$0x1FFA0] =	vst v59;
	s5 =	sadd.s32 $0x600, s6;
	s6 =	sadd.s32 s7, s31;
	s7 =	smax.u32 s30, $0x1;
	v38 =	vand.u32 $0xF, v1;
	v36 =	vand.u32 $0xF, v7;
	v37 =	vand.u32 $0xF, v8  }
.LBB2_1:
0x20: {  	[tilespmem:s8], [sflag:$0x1] =	stream.linear.gather [hbm4b:s4+s2], $0x5000, $0x38;
	[tilespmem:$0x18FE0] =	vst v63  }
0x21: {  	s0 =	simm.s32 $0x8000  }
0x22: {  	[tilespmem:s0], [sflag:$0x2] =	stream.linear.gather [hbm4b:s5+s2], $0x3FE0, $0x38;
	[tilespmem:$0x18FE0] =	vst v63  }
0x23: {  	_ =	swait.ge [sflag:s14], $0x3FE0  }
0x24: {  	[sflag:s14] =	ssyncset.done $0x0  }
0x25: {  	v1 =	vimm.f32 $0.0e+00;
	[sflag:s14] =	ssyncadd.s32 $0xFFFFC020  }
0x26: {  	s16 =	simm.s32 $0xFFFFFFD0;
	s17 =	simm.s32 $0x0;
	s18 =	simm.s32 $0xFFFFF810;
	[tilespmem:$0x0] =	vst v1;
	v1 =	vimm.f32 $1.000000000e+00  }
0x27: {  	s19 =	simm.s32 $0xFFFFFC10;
	s20 =	simm.s32 $0x0;
	s17 =	sand.u32 s18, s17;
	[tilespmem:$0x7FF0] =	vst v1  }
0x28: {  	s28 =	simm.s32 $0xFFFFFE10;
	s21 =	simm.s32 $0x0;
	s19 =	sand.u32 s19, s20;
	v1 =	vld [tilespmem:s17+$0x0]  }
0x29: {  	s1 =	sand.u32 $0x1, s2;
	s9 =	simm.s32 $0x0;
	s18 =	sand.u32 s28, s21;
	v3 =	vld [tilespmem:s19+$0x0]  }
0x2a: {  	s23 =	simm.s32 $0xFFFFFFF0;
	s22 =	ssub.s32 $0x0, s1;
	s16 =	sand.u32 s16, s9;
	v4 =	vld [tilespmem:s18+$0x0]  }
0x2b: {  	s29 =	simm.s32 $0xFFFFFF10;
	s30 =	simm.s32 $0x0;
	s24 =	sand.u32 s23, s22;
	v8 =	vld [tilespmem:s16+$0x0]  }
0x2c: {  	s31 =	simm.s32 $0xFFFFFF90;
	s0 =	simm.s32 $0x0;
	s17 =	sand.u32 s29, s30;
	v9 =	vld [tilespmem:s24+$0x0]  }
0x2d: {  	s19 =	sand.u32 s31, s0;
	v5 =	vld [tilespmem:s17+$0x0]  }
0x2e: {  	p0 =	por $0x1, $0x1;
	s16 =	simm.s32 $0xFFFFE010;
	v7 =	vld [tilespmem:s19+$0x0];
	s17 =	simm.s32 $0x20  }
0x2f: {  	s25 =	simm.s32 $0x0;
	s26 =	simm.s32 $0xFFFFF010;
	s16 =	simm.s32 @p0 $0x0;
	v10 =	vld [tilespmem:s17+$0xFFFFFFE0]  }
0x30: {  	s19 =	sand.u32 s26, s25;
	v21 =	vld [tilespmem:s16+$0x0]  }
0x31: {  	s20 =	simm.s32 $0x8010;
	v22 =	vld [tilespmem:s19+$0x0]  }
0x32: {  	v23 =	vld [tilespmem:s20+$0xFFFFFFF0]  }
0x33: {  	v1 =	vmax.f32 v3, v1  }
0x34: {  	v7 =	vmax.f32 v8, v7;
	v4 =	vmax.f32 v5, v4;
	v3 =	vmax.f32 v10, v9  }
0x35: {  	v1 =	vmax.f32 v4, v1;
	v3 =	vmax.f32 v3, v7  }
0x36: {  	v4 =	vmax.f32 v22, v21;
	v1 =	vmax.f32 v3, v1  }
0x37: {  	v3 =	vand.u32 $0x7FFFFFFF, v23;
	v1 =	vmax.f32 v1, v4  }
0x38: {  	v1 =	vadd.f32 v3, v1;
	_ =	sdelay $0x1  }
0x39: {  	v3 =	vmin.f32 v1, $1.000000000e+00  }
0x3a: {  	v4 =	vshrl.u32 v3, $0x10  }
0x3b: {  	v4 =	vand.u32 $0x1, v4  }
0x3c: {  	v3 =	vadd.s32 v4, v3  }
0x3d: {  	v3 =	vadd.s32 $0x7FFF, v3  }
0x3e: {  	s16 =	simm.s32 $0x4020;
	[tilespmem:s17+$0xFFFFFFF0] =	vst v1;
	v1 =	vand.u32 $0xFFFF0000, v3  }
0x3f: {  	p0 =	seq.s32 s1, $0x1;
	s19 =	simm.s32 $0x0;
	[tilespmem:s16+$0xFFFFFFF0] =	vst v1  }
0x40: {  	s28 =	simm.s32 $0xFFFFFFE0;
	s29 =	simm.s32 $0x0;
	s19 =	simm.s32 @p0 $0x0;
	v1 =	vld [tilespmem:$0x0]  }
0x41: {  	s22 =	simm.s32 $0xFFFFFFA0;
	s23 =	simm.s32 $0x0;
	s18 =	sand.u32 s28, s29;
	v3 =	vld [tilespmem:s19+$0x0]  }
0x42: {  	s9 =	simm.s32 $0x0;
	s0 =	sand.u32 s22, s23;
	s1 =	simm.s32 $0xFFFFFE20;
	v4 =	vld [tilespmem:s18+$0x0]  }
0x43: {  	s21 =	simm.s32 $0xFFFFFC20;
	s24 =	simm.s32 $0x0;
	s25 =	sand.u32 s1, s9;
	v5 =	vld [tilespmem:s0+$0x0]  }
0x44: {  	s30 =	simm.s32 $0xFFFFFF20;
	s31 =	simm.s32 $0x0;
	s29 =	sand.u32 s21, s24;
	v8 =	vld [tilespmem:s25+$0x0]  }
0x45: {  	s26 =	simm.s32 $0x0;
	s28 =	simm.s32 $0xFFFFF820;
	s19 =	sand.u32 s30, s31;
	v9 =	vld [tilespmem:s29+$0x0]  }
0x46: {  	s1 =	simm.s32 $0x0;
	s9 =	simm.s32 $0xFFFFE020;
	s0 =	sand.u32 s28, s26;
	v7 =	vld [tilespmem:s19+$0x0]  }
0x47: {  	s30 =	simm.s32 $0xFFFFF020;
	s31 =	simm.s32 $0x0;
	s25 =	sand.u32 s9, s1;
	v10 =	vld [tilespmem:s0+$0x0]  }
0x48: {  	s24 =	sand.u32 s30, s31;
	v22 =	vld [tilespmem:s25+$0x0]  }
0x49: {  	v21 =	vld [tilespmem:s24+$0x0]  }
0x4a: {  	v23 =	vld [tilespmem:s20+$0x0]  }
0x4b: {  	v1 =	vmax.f32 v1, v3  }
0x4c: {  	v3 =	vmax.f32 v4, v5;
	v4 =	vmax.f32 v7, v8;
	v5 =	vmax.f32 v9, v10  }
0x4d: {  	v1 =	vmax.f32 v1, v3;
	v3 =	vmax.f32 v4, v5  }
0x4e: {  	v4 =	vmax.f32 v21, v22;
	v1 =	vmax.f32 v1, v3  }
0x4f: {  	v3 =	vand.u32 $0x7FFFFFFF, v23;
	v1 =	vmax.f32 v1, v4  }
0x50: {  	v1 =	vadd.f32 v3, v1;
	_ =	sdelay $0x1  }
0x51: {  	v3 =	vmin.f32 v1, $1.000000000e+00  }
0x52: {  	v4 =	vshrl.u32 v3, $0x10  }
0x53: {  	v4 =	vand.u32 $0x1, v4  }
0x54: {  	v3 =	vadd.s32 v4, v3  }
0x55: {  	v3 =	vadd.s32 $0x7FFF, v3  }
0x56: {  	s20 =	simm.s32 $0x1;
	s26 =	simm.s32 $0x0;
	s28 =	simm.s32 $0xFFFFF830;
	[tilespmem:s17+$0x0] =	vst v1;
	v1 =	vand.u32 $0xFFFF0000, v3  }
0x57: {  	s29 =	simm.s32 $0xFFFFFC30;
	s30 =	simm.s32 $0x0;
	s18 =	sand.u32 s28, s26;
	[tilespmem:s16+$0x0] =	vst v1  }
0x58: {  	s31 =	simm.s32 $0xFFFFFE30;
	s0 =	simm.s32 $0x0;
	s21 =	sand.u32 s29, s30;
	v22 =	vld [tilespmem:s18+$0x0]  }
0x59: {  	s26 =	simm.s32 $0x0;
	s19 =	sand.u32 s31, s0;
	s17 =	simm.s32 $0xFFFFFFF0;
	v23 =	vld [tilespmem:s21+$0x0]  }
0x5a: {  	s1 =	simm.s32 $0xFFFFFF30;
	s9 =	simm.s32 $0x0;
	s17 =	sand.u32 s17, s26;
	v1 =	vld [tilespmem:s19+$0x0]  }
0x5b: {  	s25 =	simm.s32 $0xFFFFFFB0;
	s24 =	simm.s32 $0x0;
	s18 =	sand.u32 s1, s9;
	v5 =	vld [tilespmem:s17+$0x0]  }
0x5c: {  	s23 =	sand.u32 $0x1, s20;
	s21 =	sand.u32 s25, s24;
	v3 =	vld [tilespmem:s18+$0x0]  }
0x5d: {  	s28 =	ssub.s32 $0x0, s23;
	s29 =	simm.s32 $0x10;
	s17 =	simm.s32 $0x40;
	v4 =	vld [tilespmem:s21+$0x0]  }
0x5e: {  	s30 =	simm.s32 $0x0;
	s31 =	simm.s32 $0xFFFFF030;
	s18 =	sand.u32 s29, s28;
	v21 =	vld [tilespmem:s17+$0xFFFFFFE0]  }
0x5f: {  	p0 =	por $0x1, $0x1;
	s19 =	sand.u32 s31, s30;
	v7 =	vld [tilespmem:s18+$0x0];
	s18 =	simm.s32 $0xFFFFE030  }
0x60: {  	v10 =	vld [tilespmem:s19+$0x0];
	s18 =	simm.s32 @p0 $0x0  }
0x61: {  	v8 =	vld [tilespmem:s18+$0x0];
	s18 =	simm.s32 $0x8030  }
0x62: {  	v9 =	vld [tilespmem:s18+$0xFFFFFFF0]  }
0x63: {  	s22 =	simm.s32 $0xFFFFE050;
	s19 =	simm.s32 $0xFFFFE030;
	s21 =	simm.s32 $0x2;
	v22 =	vmax.f32 v23, v22  }
.LBB2_2:
0x64: {  	p0 =	sne.s32 s22, $0x1FD0;
	v7 =	vmax.f32 v21, v7;
	v4 =	vmax.f32 v5, v4;
	v1 =	vmax.f32 v3, v1  }
0x65: {  	v3 =	vmax.f32 v7, v4;
	v1 =	vmax.f32 v1, v22  }
0x66: {  	v4 =	vmax.f32 v10, v8;
	v1 =	vmax.f32 v3, v1  }
0x67: {  	v1 =	vmax.f32 v1, v4;
	v3 =	vand.u32 $0x7FFFFFFF, v9  }
0x68: {  	v1 =	vadd.f32 v3, v1;
	_ =	sdelay $0x1  }
0x69: {  	[tilespmem:s17+$0xFFFFFFF0] =	vst v1;
	v1 =	vmin.f32 v1, $1.000000000e+00  }
0x6a: {  	v3 =	vshrl.u32 v1, $0x10  }
0x6b: {  	v3 =	vand.u32 $0x1, v3  }
0x6c: {  	s24 =	sadd.s32 $0x1010, s19;
	s21 =	sadd.s32 $0x2, s21;
	s16 =	sadd.s32 $0x20, s16;
	v1 =	vadd.s32 v3, v1  }
0x6d: {  	s25 =	sadd.s32 $0x1FF0, s19;
	s26 =	sadd.s32 $0x1FD0, s19;
	s28 =	sshll.u32 s21, $0x17;
	v1 =	vadd.s32 $0x7FFF, v1  }
0x6e: {  	s29 =	sadd.s32 $0x1F90, s19;
	s30 =	sadd.s32 $0x1F10, s19;
	s31 =	sadd.s32 $0x1E10, s19;
	v1 =	vand.u32 $0xFFFF0000, v1  }
0x6f: {  	p1 =	seq.s32 s23, $0x1;
	s1 =	sadd.s32 $0x1C10, s19;
	s23 =	sshll.u32 s21, $0x1D;
	[tilespmem:s16+$0xFFFFFFF0] =	vst v1  }
0x70: {  	s0 =	sshll.u32 s21, $0x1C;
	s25 =	simm.s32 @p1 $0x0;
	s23 =	sshra.s32 s23, $0x1F;
	v1 =	vld [tilespmem:$0x0]  }
0x71: {  	s9 =	sshll.u32 s21, $0x1B;
	s0 =	sshra.s32 s0, $0x1F;
	s23 =	sand.u32 s26, s23;
	v3 =	vld [tilespmem:s25+$0x0]  }
0x72: {  	s9 =	sshra.s32 s9, $0x1F;
	s0 =	sand.u32 s29, s0;
	s25 =	sshll.u32 s21, $0x1A;
	v4 =	vld [tilespmem:s23+$0x0]  }
0x73: {  	s23 =	sshra.s32 s25, $0x1F;
	s25 =	sshll.u32 s21, $0x19;
	v5 =	vld [tilespmem:s0+$0x0];
	s0 =	sand.u32 s30, s9  }
0x74: {  	s9 =	sshra.s32 s25, $0x1F;
	s25 =	sshll.u32 s21, $0x18;
	v7 =	vld [tilespmem:s0+$0x0];
	s0 =	sand.u32 s31, s23  }
0x75: {  	s23 =	sshra.s32 s25, $0x1F;
	s25 =	sadd.s32 $0x1810, s19;
	v8 =	vld [tilespmem:s0+$0x0];
	s0 =	sand.u32 s1, s9  }
0x76: {  	s1 =	sshra.s32 s28, $0x1F;
	s9 =	sshll.u32 s21, $0x16;
	v9 =	vld [tilespmem:s0+$0x0];
	s0 =	sand.u32 s25, s23  }
0x77: {  	s19 =	sadd.s32 $0x10, s19;
	s9 =	sshra.s32 s9, $0x1F;
	v10 =	vld [tilespmem:s0+$0x0];
	s0 =	sand.u32 s24, s1  }
0x78: {  	v21 =	vld [tilespmem:s0+$0x0];
	s0 =	sand.u32 s19, s9;
	s19 =	smov.u32 s22  }
0x79: {  	v22 =	vld [tilespmem:s0+$0x0]  }
0x7a: {  	v23 =	vld [tilespmem:s18+$0x0]  }
0x7b: {  	v1 =	vmax.f32 v1, v3  }
0x7c: {  	v3 =	vmax.f32 v4, v5;
	v4 =	vmax.f32 v7, v8;
	v5 =	vmax.f32 v9, v10  }
0x7d: {  	v1 =	vmax.f32 v1, v3;
	v3 =	vmax.f32 v4, v5  }
0x7e: {  	v4 =	vmax.f32 v21, v22;
	v1 =	vmax.f32 v1, v3  }
0x7f: {  	v1 =	vmax.f32 v1, v4;
	v3 =	vand.u32 $0x7FFFFFFF, v23  }
0x80: {  	v1 =	vadd.f32 v3, v1;
	_ =	sdelay $0x1  }
0x81: {  	[tilespmem:s17+$0x0] =	vst v1;
	v1 =	vmin.f32 v1, $1.000000000e+00  }
0x82: {  	v3 =	vshrl.u32 v1, $0x10  }
0x83: {  	s20 =	sadd.s32 $0x1, s20;
	v3 =	vand.u32 $0x1, v3  }
0x84: {  	s1 =	sadd.s32 $0x1F80, s22;
	s9 =	sadd.s32 $0x1F00, s22;
	s0 =	sadd.s32 $0x1FC0, s22;
	v1 =	vadd.s32 v3, v1  }
0x85: {  	s23 =	sadd.s32 $0x1E00, s22;
	s25 =	sshll.u32 s20, $0x19;
	s24 =	sadd.s32 $0x1C00, s22;
	v1 =	vadd.s32 $0x7FFF, v1  }
0x86: {  	s26 =	sshll.u32 s20, $0x1A;
	s28 =	sadd.s32 $0x1800, s22;
	s25 =	sshra.s32 s25, $0x1F;
	v1 =	vand.u32 $0xFFFF0000, v1  }
0x87: {  	s29 =	sshll.u32 s20, $0x1B;
	s26 =	sshra.s32 s26, $0x1F;
	s25 =	sand.u32 s28, s25;
	[tilespmem:s16+$0x0] =	vst v1  }
0x88: {  	s29 =	sshra.s32 s29, $0x1F;
	s28 =	sshll.u32 s20, $0x1C;
	s24 =	sand.u32 s24, s26;
	v22 =	vld [tilespmem:s25+$0x0]  }
0x89: {  	s23 =	sand.u32 s23, s29;
	s26 =	sshra.s32 s28, $0x1F;
	s25 =	sshll.u32 s20, $0x1D;
	v23 =	vld [tilespmem:s24+$0x0]  }
0x8a: {  	s9 =	sand.u32 s9, s26;
	s24 =	sshll.u32 s20, $0x1E;
	s25 =	sshra.s32 s25, $0x1F;
	v1 =	vld [tilespmem:s23+$0x0]  }
0x8b: {  	s23 =	sand.u32 $0x1, s20;
	s24 =	sshra.s32 s24, $0x1F;
	s1 =	sand.u32 s1, s25;
	v3 =	vld [tilespmem:s9+$0x0]  }
0x8c: {  	s25 =	sadd.s32 $0x1FE0, s22;
	s9 =	ssub.s32 $0x0, s23;
	s0 =	sand.u32 s0, s24;
	v4 =	vld [tilespmem:s1+$0x0]  }
0x8d: {  	p1 =	slt.u32 s20, $0x100;
	s1 =	sand.u32 s25, s9;
	s9 =	smov.u32 s22;
	v5 =	vld [tilespmem:s0+$0x0]  }
0x8e: {  	s17 =	sadd.s32 $0x20, s17;
	s0 =	sshll.u32 s20, $0x18;
	s9 =	simm.s32 @p1 $0x0;
	v7 =	vld [tilespmem:s1+$0x0]  }
.Ltmp0:
0x8f: {  	s0 =	sshra.s32 s0, $0x1F;
	s1 =	sadd.s32 $0x1000, s22;
	v21 =	vld [tilespmem:s17+$0xFFFFFFE0];
	(pc) =	sbr.rel @p0 .LBB2_2-.Ltmp0, $4  }
0x90: {  	s0 =	sand.u32 s1, s0;
	v8 =	vld [tilespmem:s9+$0x0]  }
0x91: {  	s18 =	sadd.s32 $0x20, s18;
	v10 =	vld [tilespmem:s0+$0x0]  }
0x92: {  	v9 =	vld [tilespmem:s18+$0xFFFFFFF0]  }
0x93: {  	v22 =	vmax.f32 v23, v22;
	s22 =	sadd.s32 $0x20, s22  }
0x94: {  	v7 =	vmax.f32 v21, v7;
	v4 =	vmax.f32 v5, v4;
	v1 =	vmax.f32 v3, v1  }
0x95: {  	v3 =	vmax.f32 v7, v4;
	v1 =	vmax.f32 v1, v22  }
0x96: {  	v4 =	vmax.f32 v10, v8;
	v1 =	vmax.f32 v3, v1  }
0x97: {  	v1 =	vmax.f32 v1, v4;
	v3 =	vand.u32 $0x7FFFFFFF, v9  }
0x98: {  	v1 =	vadd.f32 v3, v1;
	_ =	sdelay $0x1  }
0x99: {  	v3 =	vmin.f32 v1, $1.000000000e+00  }
0x9a: {  	v4 =	vshrl.u32 v3, $0x10  }
0x9b: {  	v4 =	vand.u32 $0x1, v4  }
0x9c: {  	s0 =	sadd.s32 $0x1010, s19;
	s1 =	sadd.s32 $0x2, s21;
	s16 =	sadd.s32 $0x20, s16;
	v3 =	vadd.s32 v4, v3  }
0x9d: {  	s9 =	sadd.s32 $0x1FF0, s19;
	s20 =	sadd.s32 $0x1FD0, s19;
	s22 =	sadd.s32 $0x1F90, s19;
	v3 =	vadd.s32 $0x7FFF, v3  }
0x9e: {  	s24 =	sadd.s32 $0x1F10, s19;
	s25 =	sadd.s32 $0x1E10, s19;
	p0 =	seq.s32 s23, $0x1;
	[tilespmem:s17+$0xFFFFFFF0] =	vst v1;
	v1 =	vand.u32 $0xFFFF0000, v3  }
0x9f: {  	s26 =	sadd.s32 $0x1C10, s19;
	s21 =	sshll.u32 s1, $0x17;
	s31 =	sshll.u32 s1, $0x1D;
	[tilespmem:s16+$0xFFFFFFF0] =	vst v1  }
0xa0: {  	s28 =	sshll.u32 s1, $0x1C;
	s9 =	simm.s32 @p0 $0x0;
	s23 =	sshra.s32 s31, $0x1F;
	v1 =	vld [tilespmem:$0x0]  }
0xa1: {  	s29 =	sshll.u32 s1, $0x1B;
	s28 =	sshra.s32 s28, $0x1F;
	s23 =	sand.u32 s20, s23;
	v3 =	vld [tilespmem:s9+$0x0]  }
0xa2: {  	s30 =	sshll.u32 s1, $0x1A;
	s29 =	sshra.s32 s29, $0x1F;
	s31 =	sand.u32 s22, s28;
	v4 =	vld [tilespmem:s23+$0x0]  }
0xa3: {  	s22 =	sshra.s32 s30, $0x1F;
	s28 =	sshll.u32 s1, $0x19;
	s29 =	sand.u32 s24, s29;
	v5 =	vld [tilespmem:s31+$0x0]  }
0xa4: {  	s30 =	sshra.s32 s28, $0x1F;
	s22 =	sand.u32 s25, s22;
	s31 =	sshll.u32 s1, $0x18;
	v7 =	vld [tilespmem:s29+$0x0]  }
0xa5: {  	s25 =	sadd.s32 $0x1810, s19;
	s26 =	sand.u32 s26, s30;
	v8 =	vld [tilespmem:s22+$0x0];
	s24 =	sshra.s32 s31, $0x1F  }
0xa6: {  	s28 =	sshra.s32 s21, $0x1F;
	s1 =	sshll.u32 s1, $0x16;
	v9 =	vld [tilespmem:s26+$0x0];
	s29 =	sand.u32 s25, s24  }
0xa7: {  	s30 =	sadd.s32 $0x10, s19;
	s0 =	sand.u32 s0, s28;
	s1 =	sshra.s32 s1, $0x1F;
	v10 =	vld [tilespmem:s29+$0x0]  }
0xa8: {  	v21 =	vld [tilespmem:s0+$0x0];
	s31 =	sand.u32 s30, s1  }
0xa9: {  	v22 =	vld [tilespmem:s31+$0x0]  }
0xaa: {  	v23 =	vld [tilespmem:s18+$0x0]  }
0xab: {  	v1 =	vmax.f32 v1, v3  }
0xac: {  	v3 =	vmax.f32 v4, v5;
	v4 =	vmax.f32 v7, v8;
	v5 =	vmax.f32 v9, v10  }
0xad: {  	v1 =	vmax.f32 v1, v3;
	v3 =	vmax.f32 v4, v5  }
0xae: {  	v4 =	vmax.f32 v21, v22;
	v1 =	vmax.f32 v1, v3  }
0xaf: {  	v3 =	vand.u32 $0x7FFFFFFF, v23;
	v1 =	vmax.f32 v1, v4  }
0xb0: {  	v1 =	vadd.f32 v3, v1;
	_ =	sdelay $0x1  }
0xb1: {  	v3 =	vmin.f32 v1, $1.000000000e+00  }
0xb2: {  	v4 =	vshrl.u32 v3, $0x10  }
0xb3: {  	v4 =	vand.u32 $0x1, v4  }
0xb4: {  	v3 =	vadd.s32 v4, v3  }
0xb5: {  	v3 =	vadd.s32 $0x7FFF, v3  }
0xb6: {  	[tilespmem:s17+$0x0] =	vst v1;
	v1 =	vand.u32 $0xFFFF0000, v3  }
0xb7: {  	[tilespmem:s16+$0x0] =	vst v1  }
0xb8: {  	_ =	swait.ge [sflag:s3], $0x5000  }
0xb9: {  	s18 =	simm.s32 $0xA0;
	[sflag:s3] =	ssyncset.done $0x0  }
0xba: {  	s17 =	simm.s32 $0x10;
	s16 =	simm.s32 $0xFFFFFFFE;
	[sflag:s3] =	ssyncadd.s32 $0xFFFFB000  }
.LBB2_4:
0xbb: {  	_ =	sdelay $0x1  }
0xbc: {  	s0 =	sadd.s32 $0xFFFFFF60, s18  }
0xbd: {  	v9 =	vadd.s32 s0, v24  }
0xbe: {  	v9 =	vand.u32 $0xFFF8, v9;
	v1 =	vadd.s32 s0, v11  }
0xbf: {  	v3 =	vadd.s32 s0, v6;
	v9 =	vor.u32 v59, v9;
	v1 =	vand.u32 $0xFFF8, v1  }
0xc0: {  	v4 =	vadd.s32 s0, v13;
	v3 =	vand.u32 $0xFFF8, v3;
	v1 =	vor.u32 v2, v1  }
0xc1: {  	v5 =	vadd.s32 s0, v15;
	v4 =	vand.u32 $0xFFF8, v4;
	v3 =	vor.u32 v12, v3  }
0xc2: {  	v7 =	vadd.s32 s0, v17;
	v5 =	vand.u32 $0xFFF8, v5;
	v4 =	vor.u32 v14, v4  }
0xc3: {  	v8 =	vadd.s32 s0, v19;
	v7 =	vand.u32 $0xFFF8, v7;
	v5 =	vor.u32 v16, v5  }
0xc4: {  	v10 =	vadd.s32 s0, v60;
	v8 =	vand.u32 $0xFFF8, v8;
	v7 =	vor.u32 v18, v7;
	v9 =	vld.idx.msk [tilespmem:v9+s8+$0x0], $0xffff  }
0xc5: {  	v10 =	vand.u32 $0xFFF8, v10;
	v8 =	vor.u32 v20, v8;
	v1 =	vld.idx.msk [tilespmem:v1+s8+$0x0], $0xffff  }
0xc6: {  	v10 =	vor.u32 v61, v10;
	v3 =	vld.idx.msk [tilespmem:v3+s8+$0x0], $0xffff  }
0xc7: {  	v4 =	vld.idx.msk [tilespmem:v4+s8+$0x0], $0xffff  }
0xc8: {  	v5 =	vld.idx.msk [tilespmem:v5+s8+$0x0], $0xffff  }
0xc9: {  	v7 =	vld.idx.msk [tilespmem:v7+s8+$0x0], $0xffff  }
0xca: {  	v8 =	vld.idx.msk [tilespmem:v8+s8+$0x0], $0xffff  }
0xcb: {  	v10 =	vld.idx.msk [tilespmem:v10+s8+$0x0], $0xffff  }
0xcc: {  	v21 =	vadd.s32 s0, v62;
	v22 =	vadd.s32 s0, v63  }
0xcd: {  	v21 =	vand.u32 $0xFFF8, v21;
	v22 =	vand.u32 $0xFFF8, v22  }
0xce: {  	v21 =	vor.u32 v2, v21;
	v22 =	vor.u32 v12, v22;
	vm0 =	vlt.f32 v1, v3  }
0xcf: {  	v23 =	vmax.f32 v1, v3;
	v1 =	vmin.f32 v1, v3;
	vm13 =	vlt.f32 v4, v5  }
0xd0: {  	vm5 =	vlt.f32 v7, v8;
	vm6 =	vlt.f32 v9, v10;
	v3 =	vsel vm0, $0x2, v25  }
0xd1: {  	v25 =	vsel vm0, $0x1, v26;
	v26 =	vmax.f32 v4, v5;
	v4 =	vmin.f32 v4, v5  }
0xd2: {  	v5 =	vsel vm13, $0x8, v27;
	v27 =	vsel vm13, $0x4, v28;
	vm14 =	vlt.f32 v23, v26  }
0xd3: {  	v28 =	vmax.f32 v23, v26;
	v23 =	vmin.f32 v23, v26;
	vm15 =	vlt.f32 v1, v4  }
0xd4: {  	v26 =	vsel vm14, v5, v3;
	v3 =	vsel vm14, v3, v5;
	v5 =	vmax.f32 v1, v4  }
0xd5: {  	v1 =	vmin.f32 v1, v4;
	v4 =	vsel vm15, v27, v25;
	v25 =	vsel vm15, v25, v27  }
0xd6: {  	vm4 =	vlt.f32 v5, v23;
	v27 =	vmax.f32 v5, v23;
	v5 =	vmin.f32 v5, v23  }
0xd7: {  	v23 =	vsel vm4, v3, v4;
	v3 =	vsel vm4, v4, v3;
	v4 =	vmax.f32 v7, v8  }
0xd8: {  	v21 =	vld.idx.msk [tilespmem:v21+s8+$0x0], $0xffff;
	v7 =	vmin.f32 v7, v8;
	v8 =	vsel vm5, $0x20, v29;
	v29 =	vsel vm5, $0x10, v30  }
0xd9: {  	v22 =	vld.idx.msk [tilespmem:v22+s8+$0x0], $0xffff;
	v30 =	vmax.f32 v9, v10;
	v9 =	vmin.f32 v9, v10;
	v10 =	vsel vm6, $0x80, v31  }
0xda: {  	v31 =	vsel vm6, $0x40, v39;
	vm7 =	vlt.f32 v4, v30;
	v44 =	vmax.f32 v4, v30  }
0xdb: {  	v4 =	vmin.f32 v4, v30;
	vm8 =	vlt.f32 v7, v9;
	v30 =	vsel vm7, v10, v8  }
0xdc: {  	v8 =	vsel vm7, v8, v10;
	v10 =	vmax.f32 v7, v9;
	v7 =	vmin.f32 v7, v9  }
0xdd: {  	v9 =	vsel vm8, v31, v29;
	v29 =	vsel vm8, v29, v31;
	vm10 =	vlt.f32 v28, v44  }
0xde: {  	vm7 =	vlt.f32 v21, v22;
	vm9 =	vlt.f32 v10, v4;
	v31 =	vmax.f32 v10, v4  }
0xdf: {  	v4 =	vmin.f32 v10, v4;
	v45 =	vsel vm10, v30, v26;
	v26 =	vsel vm10, v26, v30  }
0xe0: {  	vm14 =	vlt.f32 v1, v7;
	v46 =	vsel vm7, $0x100, v41;
	v10 =	vsel vm9, v8, v9  }
0xe1: {  	v8 =	vsel vm9, v9, v8;
	v9 =	vmax.f32 v28, v44;
	v28 =	vmin.f32 v28, v44  }
0xe2: {  	vm11 =	vlt.f32 v5, v4;
	v30 =	vmax.f32 v5, v4;
	v4 =	vmin.f32 v5, v4  }
0xe3: {  	vm13 =	vlt.f32 v27, v31;
	v5 =	vsel vm11, v8, v3;
	v3 =	vsel vm11, v3, v8  }
0xe4: {  	vm12 =	vlt.f32 v30, v28;
	v8 =	vmax.f32 v30, v28;
	v28 =	vmin.f32 v30, v28  }
0xe5: {  	v30 =	vsel vm12, v26, v5;
	v5 =	vsel vm12, v5, v26;
	v26 =	vmax.f32 v27, v31  }
0xe6: {  	v27 =	vmin.f32 v27, v31;
	v31 =	vsel vm13, v10, v23;
	v10 =	vsel vm13, v23, v10  }
0xe7: {  	v23 =	vmax.f32 v1, v7;
	v1 =	vmin.f32 v1, v7;
	v7 =	vsel vm14, v29, v25  }
0xe8: {  	v25 =	vsel vm14, v25, v29;
	vm15 =	vlt.f32 v23, v27;
	v29 =	vmax.f32 v23, v27  }
0xe9: {  	v23 =	vmin.f32 v23, v27;
	vm4 =	vlt.f32 v26, v8;
	v27 =	vsel vm15, v10, v7  }
0xea: {  	v7 =	vsel vm15, v7, v10;
	v10 =	vmax.f32 v26, v8;
	v8 =	vmin.f32 v26, v8  }
0xeb: {  	v26 =	vsel vm4, v30, v31;
	v30 =	vsel vm4, v31, v30;
	vm5 =	vlt.f32 v29, v28  }
0xec: {  	v31 =	vmax.f32 v29, v28;
	v28 =	vmin.f32 v29, v28;
	vm6 =	vlt.f32 v23, v4  }
0xed: {  	v29 =	vsel vm5, v5, v27;
	v5 =	vsel vm5, v27, v5;
	v27 =	vmax.f32 v23, v4  }
0xee: {  	v4 =	vmin.f32 v23, v4;
	v23 =	vsel vm6, v3, v7;
	v3 =	vsel vm6, v7, v3  }
0xef: {  	v7 =	vmax.f32 v21, v22;
	v21 =	vmin.f32 v21, v22;
	v22 =	vsel vm7, $0x200, v40  }
0xf0: {  	vm8 =	vlt.f32 v9, v7;
	v47 =	vmax.f32 v9, v7;
	v7 =	vmin.f32 v9, v7  }
0xf1: {  	vm12 =	vlt.f32 v10, v21;
	v9 =	vsel vm8, v22, v45;
	v22 =	vsel vm8, v45, v22  }
0xf2: {  	vm9 =	vlt.f32 v28, v7;
	v53 =	vmax.f32 v28, v7;
	v7 =	vmin.f32 v28, v7  }
0xf3: {  	v28 =	vsel vm9, v22, v5;
	v5 =	vsel vm9, v5, v22;
	vm10 =	vlt.f32 v8, v53  }
0xf4: {  	v22 =	vmax.f32 v8, v53;
	v8 =	vmin.f32 v8, v53;
	vm11 =	vlt.f32 v4, v7  }
0xf5: {  	v51 =	vshll.u32 v9, $0x4;
	v54 =	vsel vm10, v28, v30;
	v28 =	vsel vm10, v30, v28  }
0xf6: {  	v30 =	vmax.f32 v4, v7;
	v4 =	vmin.f32 v4, v7;
	v7 =	vsel vm11, v5, v3  }
0xf7: {  	v3 =	vsel vm11, v3, v5;
	v5 =	vmax.f32 v10, v21;
	v10 =	vmin.f32 v10, v21  }
0xf8: {  	v21 =	vsel vm12, v46, v26;
	v26 =	vsel vm12, v26, v46;
	vm13 =	vlt.f32 v27, v10  }
0xf9: {  	v55 =	vmax.f32 v27, v10;
	v10 =	vmin.f32 v27, v10;
	vm4 =	vlt.f32 v5, v22  }
0xfa: {  	v27 =	vsel vm13, v26, v23;
	v23 =	vsel vm13, v23, v26;
	vm14 =	vlt.f32 v31, v55  }
0xfb: {  	v26 =	vmax.f32 v31, v55;
	v31 =	vmin.f32 v31, v55;
	vm15 =	vlt.f32 v1, v10  }
0xfc: {  	v56 =	vsel vm14, v27, v29;
	v27 =	vsel vm14, v29, v27;
	v29 =	vmax.f32 v1, v10  }
0xfd: {  	v1 =	vmin.f32 v1, v10;
	v10 =	vsel vm15, v23, v25;
	v23 =	vmax.f32 v5, v22  }
0xfe: {  	v5 =	vmin.f32 v5, v22;
	v22 =	vsel vm4, v54, v21;
	v21 =	vsel vm4, v21, v54  }
0xff: {  	vm5 =	vlt.f32 v26, v8;
	v25 =	vmax.f32 v26, v8;
	v8 =	vmin.f32 v26, v8  }
0x100: {  	vm6 =	vlt.f32 v31, v30;
	v52 =	vmax.f32 v31, v30;
	v30 =	vmin.f32 v31, v30  }
0x101: {  	v22 =	vadd.s32 v9, v22;
	v26 =	vsel vm5, v28, v56;
	v28 =	vsel vm5, v56, v28  }
0x102: {  	v31 =	vsel vm6, v7, v27;
	v7 =	vsel vm6, v27, v7;
	vm7 =	vlt.f32 v29, v4  }
0x103: {  	v9 =	vsub.f32 v47, v23;
	v21 =	vadd.s32 v21, v22;
	v57 =	vsel vm7, v3, v10  }
0x104: {  	v3 =	vsel vm7, v10, v3;
	v47 =	vshll.u32 v22, $0x4;
	v26 =	vadd.s32 v26, v21  }
0x105: {  	v46 =	vshll.u32 v21, $0x4;
	v21 =	vsub.f32 v23, v5;
	v22 =	vshrl.u32 v9, $0x10  }
0x106: {  	v5 =	vsub.f32 v5, v25;
	v28 =	vadd.s32 v28, v26;
	v44 =	vshll.u32 v26, $0x4  }
0x107: {  	v22 =	vand.u32 $0x1, v22;
	v27 =	vadd.s32 v31, v28;
	v31 =	vmax.f32 v29, v4  }
0x108: {  	v4 =	vmin.f32 v29, v4;
	v43 =	vshll.u32 v28, $0x4;
	v23 =	vshrl.u32 v21, $0x10  }
0x109: {  	v7 =	vadd.s32 v7, v27;
	v42 =	vshll.u32 v27, $0x4;
	v26 =	vsub.f32 v30, v31  }
0x10a: {  	v10 =	vadd.s32 v57, v7;
	v41 =	vshll.u32 v7, $0x4;
	v7 =	vadd.s32 v22, v9  }
0x10b: {  	v9 =	vand.u32 $0x1, v23;
	v22 =	vor.u32 v0, v47;
	v23 =	vor.u32 v0, v43  }
0x10c: {  	v3 =	vadd.s32 v3, v10;
	v40 =	vshll.u32 v10, $0x4;
	v7 =	vadd.s32 $0x7FFF, v7  }
0x10d: {  	v9 =	vadd.s32 v9, v21;
	v10 =	vsub.f32 v25, v8;
	v21 =	vor.u32 v0, v51  }
0x10e: {  	v27 =	vor.u32 v0, v42;
	v39 =	vshll.u32 v3, $0x4;
	v49 =	vand.u32 $0xFFFF0000, v7  }
0x10f: {  	v3 =	vadd.s32 $0x7FFF, v9;
	v7 =	vshrl.u32 v5, $0x10;
	v9 =	vshrl.u32 v10, $0x10  }
0x110: {  	v48 =	vand.u32 $0xFFFF0000, v3;
	v3 =	vand.u32 $0x1, v7;
	v7 =	vand.u32 $0x1, v9  }
0x111: {  	v3 =	vadd.s32 v3, v5;
	v5 =	vadd.s32 v7, v10;
	v7 =	vor.u32 v0, v46  }
0x112: {  	v8 =	vsub.f32 v8, v52;
	v3 =	vadd.s32 $0x7FFF, v3;
	v10 =	vsub.f32 v52, v30;
	v9 =	vld.idx.msk [tilespmem:v21+s10+$0x0], $0xffff  }
0x113: {  	v5 =	vadd.s32 $0x7FFF, v5;
	v50 =	vand.u32 $0xFFFF0000, v3;
	v3 =	vor.u32 v0, v44  }
0x114: {  	v28 =	vshrl.u32 v26, $0x10;
	v22 =	vld.idx.msk [tilespmem:v22+s10+$0x0], $0xffff;
	v21 =	vshrl.u32 v1, $0x10;
	v45 =	vand.u32 $0xFFFF0000, v5  }
0x115: {  	v5 =	vshrl.u32 v8, $0x10;
	v21 =	vand.u32 $0x1, v21;
	v25 =	vshrl.u32 v10, $0x10  }
0x116: {  	v5 =	vand.u32 $0x1, v5;
	v21 =	vadd.s32 v21, v1;
	v25 =	vand.u32 $0x1, v25;
	v7 =	vld.idx.msk [tilespmem:v7+s10+$0x0], $0xffff  }
0x117: {  	v21 =	vadd.s32 $0x7FFF, v21;
	v5 =	vadd.s32 v5, v8;
	v9 =	vmul.f32 v49, v9  }
0x118: {  	v8 =	vadd.s32 v25, v10;
	v10 =	vand.u32 $0x1, v28;
	v56 =	vand.u32 $0xFFFF0000, v21;
	v3 =	vld.idx.msk [tilespmem:v3+s10+$0x0], $0xffff  }
0x119: {  	v21 =	vmul.f32 v48, v22;
	v22 =	vor.u32 v0, v41;
	v9 =	vadd.f32 v56, v9  }
0x11a: {  	v23 =	vld.idx.msk [tilespmem:v23+s10+$0x0], $0xffff;
	v5 =	vadd.s32 $0x7FFF, v5;
	v8 =	vadd.s32 $0x7FFF, v8;
	v10 =	vadd.s32 v10, v26  }
0x11b: {  	v26 =	vsub.f32 v31, v4;
	v9 =	vadd.f32 v9, v21;
	v7 =	vmul.f32 v50, v7  }
0x11c: {  	v53 =	vand.u32 $0xFFFF0000, v5;
	v5 =	vadd.s32 $0x7FFF, v10;
	v21 =	vor.u32 v0, v40  }
0x11d: {  	v25 =	vld.idx.msk [tilespmem:v27+s10+$0x0], $0xffff;
	v10 =	vor.u32 v0, v39;
	v3 =	vmul.f32 v45, v3;
	v7 =	vadd.f32 v9, v7  }
0x11e: {  	v1 =	vsub.f32 v4, v1;
	v52 =	vand.u32 $0xFFFF0000, v8;
	v9 =	vshrl.u32 v26, $0x10  }
0x11f: {  	v8 =	vld.idx.msk [tilespmem:v22+s10+$0x0], $0xffff;
	v9 =	vand.u32 $0x1, v9;
	v3 =	vadd.f32 v7, v3;
	v7 =	vmul.f32 v53, v23  }
0x120: {  	v54 =	vand.u32 $0xFFFF0000, v5;
	v9 =	vadd.s32 v9, v26  }
0x121: {  	v4 =	vld.idx.msk [tilespmem:v21+s10+$0x0], $0xffff;
	v5 =	vadd.s32 $0x7FFF, v9;
	v9 =	vshrl.u32 v1, $0x10;
	v3 =	vadd.f32 v3, v7  }
0x122: {  	v7 =	vmul.f32 v52, v25;
	v9 =	vand.u32 $0x1, v9;
	v55 =	vand.u32 $0xFFFF0000, v5;
	v5 =	vld.idx.msk [tilespmem:v10+s10+$0x0], $0xffff  }
0x123: {  	v1 =	vadd.s32 v9, v1  }
0x124: {  	s31 =	sadd.s32 $0xFFFFFFF0, s17;
	v3 =	vadd.f32 v3, v7;
	v7 =	vmul.f32 v54, v8;
	v1 =	vadd.s32 $0x7FFF, v1  }
0x125: {  	v8 =	vmov s31;
	v57 =	vand.u32 $0xFFFF0000, v1;
	v1 =	vadd.s32 s18, v11  }
0x126: {  	v3 =	vadd.f32 v3, v7;
	v4 =	vmul.f32 v55, v4;
	v1 =	vand.u32 $0xFFF8, v1  }
0x127: {  	v7 =	vshll.u32 v8, $0x4;
	v21 =	vor.u32 v2, v1;
	v5 =	vmul.f32 v57, v5  }
0x128: {  	v3 =	vadd.f32 v3, v4;
	v4 =	vadd.s32 s18, v6;
	v6 =	vmovc v58;
	v58 =	vor.u32 v58, v7  }
0x129: {  	v7 =	vadd.s32 s18, v19;
	v1 =	vand.u32 $0xFFF8, v4;
	v4 =	vadd.s32 s18, v13  }
0x12a: {  	v22 =	vor.u32 v12, v1;
	v1 =	vand.u32 $0xFFF8, v4;
	v4 =	vadd.s32 s18, v15  }
0x12b: {  	v7 =	vand.u32 $0xFFF8, v7;
	v23 =	vor.u32 v14, v1;
	v1 =	vand.u32 $0xFFF8, v4  }
0x12c: {  	v8 =	vadd.f32 v3, v5;
	v5 =	vadd.s32 s18, v17;
	v4 =	vor.u32 v16, v1  }
0x12d: {  	v7 =	vor.u32 v20, v7;
	v5 =	vand.u32 $0xFFF8, v5  }
0x12e: {  	v3 =	vld.idx.msk [tilespmem:v21+s8+$0x0], $0xffff;
	v5 =	vor.u32 v18, v5  }
0x12f: {  	v27 =	vadd.s32 s18, v63;
	v21 =	vld.idx.msk [tilespmem:v22+s8+$0x0], $0xffff  }
0x130: {  	v27 =	vand.u32 $0xFFF8, v27;
	v26 =	vadd.s32 s18, v62;
	v23 =	vld.idx.msk [tilespmem:v23+s8+$0x0], $0xffff  }
0x131: {  	v27 =	vor.u32 v12, v27;
	v26 =	vand.u32 $0xFFF8, v26;
	v25 =	vadd.s32 s18, v60;
	v4 =	vld.idx.msk [tilespmem:v4+s8+$0x0], $0xffff  }
0x132: {  	v26 =	vor.u32 v2, v26;
	v9 =	vor.u32 v32, v51;
	v25 =	vand.u32 $0xFFF8, v25;
	v7 =	vld.idx.msk [tilespmem:v7+s8+$0x0], $0xffff  }
0x133: {  	v25 =	vor.u32 v61, v25;
	v2 =	vimm.s32 $0x1;
	v22 =	vadd.s32 s18, v24;
	v5 =	vld.idx.msk [tilespmem:v5+s8+$0x0], $0xffff  }
0x134: {  	v22 =	vand.u32 $0xFFF8, v22;
	vm8 =	vlt.f32 v3, v21;
	v28 =	vmax.f32 v3, v21  }
0x135: {  	v3 =	vmin.f32 v3, v21;
	v21 =	vsel vm8, $0x2, v2;
	v2 =	vimm.s32 $0x2  }
0x136: {  	v22 =	vor.u32 v59, v22;
	v29 =	vsel vm8, $0x1, v2;
	vm9 =	vlt.f32 v23, v4  }
0x137: {  	v30 =	vmax.f32 v23, v4;
	v4 =	vmin.f32 v23, v4;
	v2 =	vimm.s32 $0x4  }
0x138: {  	vm13 =	vlt.f32 v5, v7;
	v23 =	vsel vm9, $0x8, v2;
	v2 =	vimm.s32 $0x8  }
0x139: {  	vm10 =	vlt.f32 v28, v30;
	v59 =	vmax.f32 v28, v30;
	v28 =	vmin.f32 v28, v30  }
0x13a: {  	vm11 =	vlt.f32 v3, v4;
	v31 =	vsel vm9, $0x4, v2;
	v30 =	vsel vm10, v23, v21  }
0x13b: {  	v25 =	vld.idx.msk [tilespmem:v25+s8+$0x0], $0xffff;
	v21 =	vsel vm10, v21, v23;
	v23 =	vmax.f32 v3, v4;
	v3 =	vmin.f32 v3, v4  }
0x13c: {  	v22 =	vld.idx.msk [tilespmem:v22+s8+$0x0], $0xffff;
	v2 =	vimm.s32 $0x10;
	v4 =	vsel vm11, v31, v29;
	v29 =	vsel vm11, v29, v31  }
0x13d: {  	vm12 =	vlt.f32 v23, v28;
	v31 =	vmax.f32 v23, v28;
	v23 =	vmin.f32 v23, v28  }
0x13e: {  	v28 =	vsel vm12, v21, v4;
	v4 =	vsel vm12, v4, v21;
	v21 =	vmax.f32 v5, v7  }
0x13f: {  	v5 =	vmin.f32 v5, v7;
	v7 =	vsel vm13, $0x20, v2;
	v2 =	vimm.s32 $0x20  }
0x140: {  	v10 =	vor.u32 v0, v58;
	v1 =	vmov s17;
	v60 =	vsel vm13, $0x10, v2  }
0x141: {  	vm14 =	vlt.f32 v22, v25;
	v61 =	vmax.f32 v22, v25;
	v2 =	vimm.s32 $0x40  }
0x142: {  	v22 =	vmin.f32 v22, v25;
	v25 =	vsel vm14, $0x80, v2;
	v2 =	vimm.s32 $0x80  }
0x143: {  	vm15 =	vlt.f32 v21, v61;
	v63 =	vmax.f32 v21, v61;
	v21 =	vmin.f32 v21, v61  }
0x144: {  	vm4 =	vlt.f32 v5, v22;
	v62 =	vsel vm14, $0x40, v2;
	v61 =	vsel vm15, v25, v7  }
0x145: {  	v7 =	vsel vm15, v7, v25;
	v25 =	vmax.f32 v5, v22;
	v5 =	vmin.f32 v5, v22  }
0x146: {  	vm6 =	vlt.f32 v59, v63;
	v2 =	vimm.s32 $0x100;
	v22 =	vsel vm4, v62, v60  }
0x147: {  	v60 =	vsel vm4, v60, v62;
	vm5 =	vlt.f32 v25, v21;
	v62 =	vmax.f32 v25, v21  }
0x148: {  	v21 =	vmin.f32 v25, v21;
	vm10 =	vlt.f32 v3, v5;
	v25 =	vsel vm5, v7, v22  }
0x149: {  	v7 =	vsel vm5, v22, v7;
	v22 =	vmax.f32 v59, v63;
	v59 =	vmin.f32 v59, v63  }
0x14a: {  	v63 =	vsel vm6, v61, v30;
	v30 =	vsel vm6, v30, v61;
	vm7 =	vlt.f32 v23, v21  }
0x14b: {  	v61 =	vmax.f32 v23, v21;
	v21 =	vmin.f32 v23, v21;
	vm9 =	vlt.f32 v31, v62  }
0x14c: {  	v23 =	vsel vm7, v7, v4;
	v4 =	vsel vm7, v4, v7;
	vm8 =	vlt.f32 v61, v59  }
0x14d: {  	v7 =	vmax.f32 v61, v59;
	v59 =	vmin.f32 v61, v59;
	v61 =	vsel vm8, v30, v23  }
0x14e: {  	v23 =	vsel vm8, v23, v30;
	v30 =	vmax.f32 v31, v62;
	v31 =	vmin.f32 v31, v62  }
0x14f: {  	v62 =	vsel vm9, v25, v28;
	v25 =	vsel vm9, v28, v25;
	v28 =	vmax.f32 v3, v5  }
0x150: {  	v3 =	vmin.f32 v3, v5;
	v5 =	vsel vm10, v60, v29;
	v29 =	vsel vm10, v29, v60  }
0x151: {  	v26 =	vld.idx.msk [tilespmem:v26+s8+$0x0], $0xffff;
	vm11 =	vlt.f32 v28, v31;
	v60 =	vmax.f32 v28, v31;
	v28 =	vmin.f32 v28, v31  }
0x152: {  	vm12 =	vlt.f32 v30, v7;
	v31 =	vsel vm11, v25, v5;
	v5 =	vsel vm11, v5, v25;
	v25 =	vld.idx.msk [tilespmem:v27+s8+$0x0], $0xffff  }
0x153: {  	v27 =	vmax.f32 v30, v7;
	v7 =	vmin.f32 v30, v7;
	v30 =	vsel vm12, v61, v62  }
0x154: {  	v61 =	vsel vm12, v62, v61;
	vm13 =	vlt.f32 v60, v59;
	v62 =	vmax.f32 v60, v59  }
0x155: {  	v59 =	vmin.f32 v60, v59;
	vm14 =	vlt.f32 v28, v21;
	v60 =	vsel vm13, v23, v31  }
0x156: {  	v23 =	vsel vm13, v31, v23;
	v31 =	vmax.f32 v28, v21;
	v21 =	vmin.f32 v28, v21  }
0x157: {  	v28 =	vsel vm14, v4, v5;
	v4 =	vsel vm14, v5, v4;
	vm15 =	vlt.f32 v26, v25  }
0x158: {  	v5 =	vmax.f32 v26, v25;
	v25 =	vmin.f32 v26, v25;
	v26 =	vsel vm15, $0x200, v2  }
0x159: {  	v2 =	vimm.s32 $0x200;
	vm4 =	vlt.f32 v22, v5;
	v12 =	vmax.f32 v22, v5  }
0x15a: {  	v5 =	vmin.f32 v22, v5;
	vm8 =	vlt.f32 v27, v25;
	v11 =	vsel vm15, $0x100, v2  }
0x15b: {  	v22 =	vsel vm4, v26, v63;
	v26 =	vsel vm4, v63, v26;
	vm5 =	vlt.f32 v59, v5  }
0x15c: {  	v63 =	vmax.f32 v59, v5;
	v5 =	vmin.f32 v59, v5;
	v59 =	vsel vm5, v26, v23  }
0x15d: {  	v23 =	vsel vm5, v23, v26;
	vm6 =	vlt.f32 v7, v63;
	v26 =	vmax.f32 v7, v63  }
0x15e: {  	v7 =	vmin.f32 v7, v63;
	vm7 =	vlt.f32 v21, v5;
	v63 =	vsel vm6, v59, v61  }
0x15f: {  	v59 =	vsel vm6, v61, v59;
	v61 =	vmax.f32 v21, v5;
	v5 =	vmin.f32 v21, v5  }
0x160: {  	v21 =	vsel vm7, v23, v4;
	v4 =	vsel vm7, v4, v23;
	v23 =	vmax.f32 v27, v25  }
0x161: {  	v25 =	vmin.f32 v27, v25;
	v27 =	vsel vm8, v11, v30;
	v11 =	vsel vm8, v30, v11  }
0x162: {  	vm9 =	vlt.f32 v31, v25;
	v30 =	vmax.f32 v31, v25;
	v25 =	vmin.f32 v31, v25  }
0x163: {  	vm12 =	vlt.f32 v23, v26;
	v31 =	vsel vm9, v11, v28;
	v11 =	vsel vm9, v28, v11  }
0x164: {  	vm10 =	vlt.f32 v62, v30;
	v28 =	vmax.f32 v62, v30;
	v30 =	vmin.f32 v62, v30  }
0x165: {  	vm11 =	vlt.f32 v3, v25;
	v13 =	vmin.f32 v3, v25;
	v62 =	vsel vm10, v31, v60  }
0x166: {  	v31 =	vsel vm10, v60, v31;
	v60 =	vmax.f32 v3, v25;
	v3 =	vsel vm11, v11, v29  }
0x167: {  	v11 =	vmax.f32 v23, v26;
	v23 =	vmin.f32 v23, v26;
	v25 =	vsel vm12, v63, v27  }
0x168: {  	v26 =	vsel vm12, v27, v63;
	vm13 =	vlt.f32 v28, v7;
	v29 =	vmax.f32 v28, v7  }
0x169: {  	vm14 =	vlt.f32 v30, v61;
	v7 =	vmin.f32 v28, v7;
	v14 =	vmax.f32 v30, v61  }
0x16a: {  	v30 =	vmin.f32 v30, v61;
	v25 =	vadd.s32 v22, v25;
	v27 =	vsel vm13, v59, v62  }
0x16b: {  	v28 =	vsel vm14, v21, v31;
	v21 =	vsel vm14, v31, v21;
	vm15 =	vlt.f32 v60, v5  }
0x16c: {  	v16 =	vmax.f32 v60, v5;
	v17 =	vmin.f32 v60, v5;
	v63 =	vadd.s32 v26, v25  }
0x16d: {  	v12 =	vsub.f32 v12, v11;
	v26 =	vsel vm13, v62, v59;
	v27 =	vadd.s32 v27, v63  }
0x16e: {  	v11 =	vsub.f32 v11, v23;
	v59 =	vadd.s32 v26, v27;
	v26 =	vsel vm15, v4, v3  }
0x16f: {  	v3 =	vsel vm15, v3, v4;
	v4 =	vshll.u32 v63, $0x4;
	v31 =	vadd.s32 v28, v59  }
0x170: {  	v28 =	vshll.u32 v22, $0x4;
	v63 =	vshll.u32 v59, $0x4;
	v21 =	vadd.s32 v21, v31  }
0x171: {  	v22 =	vshrl.u32 v12, $0x10;
	v62 =	vshll.u32 v31, $0x4;
	v15 =	vadd.s32 v26, v21  }
0x172: {  	v26 =	vshll.u32 v25, $0x4;
	v61 =	vshll.u32 v21, $0x4;
	v5 =	vadd.s32 v3, v15  }
0x173: {  	v3 =	vshll.u32 v27, $0x4;
	v60 =	vshll.u32 v15, $0x4;
	v15 =	vand.u32 $0x1, v22  }
0x174: {  	v59 =	vshll.u32 v5, $0x4;
	v5 =	vadd.s32 v15, v12;
	v12 =	vshrl.u32 v11, $0x10  }
0x175: {  	v15 =	vsub.f32 v23, v29;
	v5 =	vadd.s32 $0x7FFF, v5;
	v12 =	vand.u32 $0x1, v12  }
0x176: {  	v27 =	vand.u32 $0xFFFF0000, v5;
	v5 =	vadd.s32 v12, v11;
	v11 =	vor.u32 v0, v28  }
0x177: {  	v22 =	vsub.f32 v29, v7;
	v12 =	vshrl.u32 v15, $0x10;
	v5 =	vadd.s32 $0x7FFF, v5  }
0x178: {  	v21 =	vand.u32 $0xFFFF0000, v5;
	v5 =	vand.u32 $0x1, v12;
	v12 =	vor.u32 v0, v26  }
0x179: {  	v7 =	vsub.f32 v7, v14;
	v5 =	vadd.s32 v5, v15;
	v15 =	vshrl.u32 v22, $0x10  }
0x17a: {  	v29 =	vor.u32 v0, v4;
	v5 =	vadd.s32 $0x7FFF, v5;
	v15 =	vand.u32 $0x1, v15  }
0x17b: {  	v25 =	vand.u32 $0xFFFF0000, v5;
	v5 =	vadd.s32 v15, v22;
	v15 =	vshrl.u32 v7, $0x10;
	v11 =	vld.idx.msk [tilespmem:v11+s10+$0x0], $0xffff  }
0x17c: {  	v31 =	vor.u32 v0, v3;
	v5 =	vadd.s32 $0x7FFF, v5;
	v15 =	vand.u32 $0x1, v15  }
0x17d: {  	v22 =	vand.u32 $0xFFFF0000, v5;
	v5 =	vadd.s32 v15, v7;
	v7 =	vshrl.u32 v13, $0x10;
	v12 =	vld.idx.msk [tilespmem:v12+s10+$0x0], $0xffff  }
0x17e: {  	v15 =	vor.u32 v0, v63;
	v5 =	vadd.s32 $0x7FFF, v5;
	v7 =	vand.u32 $0x1, v7  }
0x17f: {  	v14 =	vsub.f32 v14, v30;
	v23 =	vand.u32 $0xFFFF0000, v5;
	v5 =	vadd.s32 v7, v13;
	v7 =	vld.idx.msk [tilespmem:v29+s10+$0x0], $0xffff  }
0x180: {  	v29 =	vor.u32 v0, v62;
	v5 =	vadd.s32 $0x7FFF, v5;
	v11 =	vmul.f32 v27, v11  }
0x181: {  	v30 =	vsub.f32 v30, v16;
	v19 =	vor.u32 v0, v61;
	v31 =	vld.idx.msk [tilespmem:v31+s10+$0x0], $0xffff;
	v5 =	vand.u32 $0xFFFF0000, v5  }
0x182: {  	v18 =	vshrl.u32 v14, $0x10;
	v11 =	vadd.f32 v5, v11;
	v12 =	vmul.f32 v21, v12  }
0x183: {  	v16 =	vsub.f32 v16, v17;
	v20 =	vshrl.u32 v30, $0x10;
	v18 =	vand.u32 $0x1, v18;
	v15 =	vld.idx.msk [tilespmem:v15+s10+$0x0], $0xffff  }
0x184: {  	v11 =	vadd.f32 v11, v12;
	v7 =	vmul.f32 v25, v7;
	v12 =	vor.u32 v0, v60  }
0x185: {  	v2 =	vmovc v24;
	v14 =	vadd.s32 v18, v14;
	v18 =	vand.u32 $0x1, v20;
	v20 =	vshrl.u32 v16, $0x10;
	v24 =	vld.idx.msk [tilespmem:v29+s10+$0x0], $0xffff  }
0x186: {  	v7 =	vadd.f32 v11, v7;
	v11 =	vmul.f32 v22, v31;
	v31 =	vor.u32 v0, v59  }
0x187: {  	v14 =	vadd.s32 $0x7FFF, v14;
	v18 =	vadd.s32 v18, v30;
	v20 =	vand.u32 $0x1, v20;
	v19 =	vld.idx.msk [tilespmem:v19+s10+$0x0], $0xffff  }
0x188: {  	v13 =	vsub.f32 v17, v13;
	v7 =	vadd.f32 v7, v11;
	v11 =	vmul.f32 v23, v15  }
0x189: {  	v29 =	vand.u32 $0xFFFF0000, v14;
	v14 =	vadd.s32 $0x7FFF, v18;
	v15 =	vadd.s32 v20, v16;
	v12 =	vld.idx.msk [tilespmem:v12+s10+$0x0], $0xffff  }
0x18a: {  	v16 =	vshrl.u32 v13, $0x10;
	v7 =	vadd.f32 v7, v11;
	v11 =	vmul.f32 v29, v24  }
0x18b: {  	v30 =	vand.u32 $0xFFFF0000, v14;
	v14 =	vadd.s32 $0x7FFF, v15;
	v15 =	vand.u32 $0x1, v16;
	v16 =	vld.idx.msk [tilespmem:v31+s10+$0x0], $0xffff  }
0x18c: {  	v1 =	vshll.u32 v1, $0x4;
	v7 =	vadd.f32 v7, v11;
	v11 =	vmul.f32 v30, v19  }
0x18d: {  	v1 =	vor.u32 v6, v1;
	v13 =	vadd.s32 v15, v13;
	v31 =	vand.u32 $0xFFFF0000, v14  }
0x18e: {  	v13 =	vadd.s32 $0x7FFF, v13;
	v11 =	vadd.f32 v7, v11;
	v12 =	vmul.f32 v31, v12  }
0x18f: {  	v14 =	vor.u32 v32, v47;
	v7 =	vand.u32 $0xFFFF0000, v13;
	v13 =	vor.u32 v0, v1  }
0x190: {  	v15 =	vor.u32 v32, v28;
	v11 =	vadd.f32 v11, v12;
	v12 =	vmul.f32 v7, v16  }
0x191: {  	[tilespmem:v10+s11+$0x0] =	vst.idx.msk $0xffff, v8;
	v8 =	vor.u32 v32, v46  }
0x192: {  	v9 =	vld.idx.msk [tilespmem:v9+s10+$0x0], $0xffff;
	v10 =	vadd.f32 v11, v12;
	v11 =	vor.u32 v32, v26  }
0x193: {  	v12 =	vor.u32 v32, v44  }
0x194: {  	v14 =	vld.idx.msk [tilespmem:v14+s10+$0x0], $0xffff;
	[tilespmem:v13+s11+$0x0] =	vst.idx.msk $0xffff, v10;
	v10 =	vor.u32 v32, v4  }
0x195: {  	v13 =	vor.u32 v32, v43;
	v15 =	vld.idx.msk [tilespmem:v15+s10+$0x0], $0xffff  }
0x196: {  	v8 =	vld.idx.msk [tilespmem:v8+s10+$0x0], $0xffff;
	v16 =	vor.u32 v32, v3  }
0x197: {  	v9 =	vmul.f32 v49, v9;
	v17 =	vor.u32 v32, v42;
	v11 =	vld.idx.msk [tilespmem:v11+s10+$0x0], $0xffff  }
0x198: {  	v18 =	vor.u32 v32, v63;
	v12 =	vld.idx.msk [tilespmem:v12+s10+$0x0], $0xffff  }
0x199: {  	v9 =	vadd.f32 v56, v9;
	v19 =	vor.u32 v32, v41;
	v14 =	vmul.f32 v48, v14;
	v10 =	vld.idx.msk [tilespmem:v10+s10+$0x0], $0xffff  }
0x19a: {  	v20 =	vor.u32 v32, v62;
	v13 =	vld.idx.msk [tilespmem:v13+s10+$0x0], $0xffff;
	v15 =	vmul.f32 v27, v15  }
0x19b: {  	v8 =	vmul.f32 v50, v8;
	v16 =	vld.idx.msk [tilespmem:v16+s10+$0x0], $0xffff;
	v9 =	vadd.f32 v9, v14;
	v14 =	vor.u32 v32, v40  }
0x19c: {  	v17 =	vld.idx.msk [tilespmem:v17+s10+$0x0], $0xffff;
	v24 =	vor.u32 v32, v61;
	v15 =	vadd.f32 v5, v15;
	v11 =	vmul.f32 v21, v11  }
0x19d: {  	v18 =	vld.idx.msk [tilespmem:v18+s10+$0x0], $0xffff;
	v8 =	vadd.f32 v9, v8;
	v9 =	vmul.f32 v45, v12;
	v12 =	vor.u32 v32, v39  }
0x19e: {  	v19 =	vld.idx.msk [tilespmem:v19+s10+$0x0], $0xffff;
	v11 =	vadd.f32 v15, v11;
	v10 =	vmul.f32 v25, v10;
	v15 =	vor.u32 v32, v60  }
0x19f: {  	v8 =	vadd.f32 v8, v9;
	v9 =	vmul.f32 v53, v13;
	v13 =	vld.idx.msk [tilespmem:v20+s10+$0x0], $0xffff  }
0x1a0: {  	v14 =	vld.idx.msk [tilespmem:v14+s10+$0x0], $0xffff;
	v10 =	vadd.f32 v11, v10;
	v11 =	vmul.f32 v22, v16;
	v16 =	vor.u32 v32, v59  }
0x1a1: {  	v8 =	vadd.f32 v8, v9;
	v9 =	vmul.f32 v52, v17;
	v17 =	vld.idx.msk [tilespmem:v24+s10+$0x0], $0xffff  }
0x1a2: {  	v12 =	vld.idx.msk [tilespmem:v12+s10+$0x0], $0xffff;
	v10 =	vadd.f32 v10, v11;
	v11 =	vmul.f32 v23, v18  }
0x1a3: {  	v8 =	vadd.f32 v8, v9;
	v9 =	vmul.f32 v54, v19;
	v15 =	vld.idx.msk [tilespmem:v15+s10+$0x0], $0xffff  }
0x1a4: {  	v10 =	vadd.f32 v10, v11;
	v11 =	vmul.f32 v29, v13  }
0x1a5: {  	v8 =	vadd.f32 v8, v9;
	v9 =	vmul.f32 v55, v14;
	v13 =	vld.idx.msk [tilespmem:v16+s10+$0x0], $0xffff  }
0x1a6: {  	v14 =	vor.u32 v32, v58;
	v10 =	vadd.f32 v10, v11;
	v11 =	vmul.f32 v30, v17  }
0x1a7: {  	v8 =	vadd.f32 v8, v9;
	v9 =	vmul.f32 v57, v12;
	v12 =	vor.u32 v33, v51  }
0x1a8: {  	v10 =	vadd.f32 v10, v11;
	v11 =	vmul.f32 v31, v15  }
0x1a9: {  	v8 =	vadd.f32 v8, v9;
	v9 =	vor.u32 v33, v47;
	v15 =	vor.u32 v32, v1  }
0x1aa: {  	v10 =	vadd.f32 v10, v11;
	v11 =	vmul.f32 v7, v13;
	v13 =	vor.u32 v33, v28  }
0x1ab: {  	[tilespmem:v14+s11+$0x0] =	vst.idx.msk $0xffff, v8;
	v8 =	vor.u32 v33, v46  }
0x1ac: {  	v12 =	vld.idx.msk [tilespmem:v12+s10+$0x0], $0xffff;
	v10 =	vadd.f32 v10, v11;
	v11 =	vor.u32 v33, v26  }
0x1ad: {  	v14 =	vor.u32 v33, v44  }
0x1ae: {  	v9 =	vld.idx.msk [tilespmem:v9+s10+$0x0], $0xffff;
	[tilespmem:v15+s11+$0x0] =	vst.idx.msk $0xffff, v10;
	v10 =	vor.u32 v33, v4  }
0x1af: {  	v15 =	vor.u32 v33, v43;
	v13 =	vld.idx.msk [tilespmem:v13+s10+$0x0], $0xffff  }
0x1b0: {  	v16 =	vor.u32 v33, v3;
	v8 =	vld.idx.msk [tilespmem:v8+s10+$0x0], $0xffff  }
0x1b1: {  	v17 =	vor.u32 v33, v42;
	v12 =	vmul.f32 v49, v12;
	v11 =	vld.idx.msk [tilespmem:v11+s10+$0x0], $0xffff  }
0x1b2: {  	v18 =	vor.u32 v33, v63;
	v14 =	vld.idx.msk [tilespmem:v14+s10+$0x0], $0xffff  }
0x1b3: {  	v19 =	vor.u32 v33, v41;
	v12 =	vadd.f32 v56, v12;
	v9 =	vmul.f32 v48, v9;
	v10 =	vld.idx.msk [tilespmem:v10+s10+$0x0], $0xffff  }
0x1b4: {  	v20 =	vor.u32 v33, v62;
	v15 =	vld.idx.msk [tilespmem:v15+s10+$0x0], $0xffff;
	v13 =	vmul.f32 v27, v13  }
0x1b5: {  	v16 =	vld.idx.msk [tilespmem:v16+s10+$0x0], $0xffff;
	v9 =	vadd.f32 v9, v12;
	v8 =	vmul.f32 v50, v8;
	v12 =	vor.u32 v33, v40  }
0x1b6: {  	v24 =	vor.u32 v33, v61;
	v17 =	vld.idx.msk [tilespmem:v17+s10+$0x0], $0xffff;
	v13 =	vadd.f32 v5, v13;
	v11 =	vmul.f32 v21, v11  }
0x1b7: {  	v18 =	vld.idx.msk [tilespmem:v18+s10+$0x0], $0xffff;
	v8 =	vadd.f32 v8, v9;
	v9 =	vmul.f32 v45, v14;
	v14 =	vor.u32 v33, v39  }
0x1b8: {  	v19 =	vld.idx.msk [tilespmem:v19+s10+$0x0], $0xffff;
	v11 =	vadd.f32 v11, v13;
	v10 =	vmul.f32 v25, v10;
	v13 =	vor.u32 v33, v60  }
0x1b9: {  	v8 =	vadd.f32 v9, v8;
	v9 =	vmul.f32 v53, v15;
	v15 =	vld.idx.msk [tilespmem:v20+s10+$0x0], $0xffff  }
0x1ba: {  	v12 =	vld.idx.msk [tilespmem:v12+s10+$0x0], $0xffff;
	v10 =	vadd.f32 v10, v11;
	v11 =	vmul.f32 v22, v16;
	v16 =	vor.u32 v33, v59  }
0x1bb: {  	v8 =	vadd.f32 v9, v8;
	v9 =	vmul.f32 v52, v17;
	v17 =	vld.idx.msk [tilespmem:v24+s10+$0x0], $0xffff  }
0x1bc: {  	v14 =	vld.idx.msk [tilespmem:v14+s10+$0x0], $0xffff;
	v10 =	vadd.f32 v11, v10;
	v11 =	vmul.f32 v23, v18  }
0x1bd: {  	v8 =	vadd.f32 v9, v8;
	v9 =	vmul.f32 v54, v19;
	v13 =	vld.idx.msk [tilespmem:v13+s10+$0x0], $0xffff  }
0x1be: {  	v10 =	vadd.f32 v11, v10;
	v11 =	vmul.f32 v29, v15  }
0x1bf: {  	v8 =	vadd.f32 v9, v8;
	v9 =	vmul.f32 v55, v12;
	v12 =	vld.idx.msk [tilespmem:v16+s10+$0x0], $0xffff  }
0x1c0: {  	v15 =	vor.u32 v33, v58;
	v10 =	vadd.f32 v11, v10;
	v11 =	vmul.f32 v30, v17  }
0x1c1: {  	v8 =	vadd.f32 v9, v8;
	v9 =	vmul.f32 v57, v14;
	v14 =	vor.u32 v34, v51  }
0x1c2: {  	v10 =	vadd.f32 v11, v10;
	v11 =	vmul.f32 v31, v13  }
0x1c3: {  	v8 =	vadd.f32 v9, v8;
	v9 =	vor.u32 v34, v47;
	v13 =	vor.u32 v33, v1  }
0x1c4: {  	v10 =	vadd.f32 v11, v10;
	v11 =	vmul.f32 v7, v12;
	v12 =	vor.u32 v34, v28  }
0x1c5: {  	[tilespmem:v15+s11+$0x0] =	vst.idx.msk $0xffff, v8;
	v8 =	vor.u32 v34, v46  }
0x1c6: {  	v14 =	vld.idx.msk [tilespmem:v14+s10+$0x0], $0xffff;
	v10 =	vadd.f32 v11, v10;
	v11 =	vor.u32 v34, v26  }
0x1c7: {  	v15 =	vor.u32 v34, v44  }
0x1c8: {  	v9 =	vld.idx.msk [tilespmem:v9+s10+$0x0], $0xffff;
	[tilespmem:v13+s11+$0x0] =	vst.idx.msk $0xffff, v10;
	v10 =	vor.u32 v34, v4  }
0x1c9: {  	v13 =	vor.u32 v34, v43;
	v12 =	vld.idx.msk [tilespmem:v12+s10+$0x0], $0xffff  }
0x1ca: {  	v16 =	vor.u32 v34, v3;
	v8 =	vld.idx.msk [tilespmem:v8+s10+$0x0], $0xffff  }
0x1cb: {  	v17 =	vor.u32 v34, v42;
	v14 =	vmul.f32 v49, v14;
	v11 =	vld.idx.msk [tilespmem:v11+s10+$0x0], $0xffff  }
0x1cc: {  	v18 =	vor.u32 v34, v63;
	v15 =	vld.idx.msk [tilespmem:v15+s10+$0x0], $0xffff  }
0x1cd: {  	v19 =	vor.u32 v34, v41;
	v14 =	vadd.f32 v56, v14;
	v9 =	vmul.f32 v48, v9;
	v10 =	vld.idx.msk [tilespmem:v10+s10+$0x0], $0xffff  }
0x1ce: {  	v20 =	vor.u32 v34, v62;
	v13 =	vld.idx.msk [tilespmem:v13+s10+$0x0], $0xffff;
	v12 =	vmul.f32 v27, v12  }
0x1cf: {  	v16 =	vld.idx.msk [tilespmem:v16+s10+$0x0], $0xffff;
	v9 =	vadd.f32 v9, v14;
	v8 =	vmul.f32 v50, v8;
	v14 =	vor.u32 v34, v40  }
0x1d0: {  	v24 =	vor.u32 v34, v61;
	v17 =	vld.idx.msk [tilespmem:v17+s10+$0x0], $0xffff;
	v12 =	vadd.f32 v5, v12;
	v11 =	vmul.f32 v21, v11  }
0x1d1: {  	v18 =	vld.idx.msk [tilespmem:v18+s10+$0x0], $0xffff;
	v8 =	vadd.f32 v8, v9;
	v9 =	vmul.f32 v45, v15;
	v15 =	vor.u32 v34, v39  }
0x1d2: {  	v19 =	vld.idx.msk [tilespmem:v19+s10+$0x0], $0xffff;
	v11 =	vadd.f32 v11, v12;
	v10 =	vmul.f32 v25, v10;
	v12 =	vor.u32 v34, v60  }
0x1d3: {  	v8 =	vadd.f32 v9, v8;
	v9 =	vmul.f32 v53, v13;
	v13 =	vld.idx.msk [tilespmem:v20+s10+$0x0], $0xffff  }
0x1d4: {  	v14 =	vld.idx.msk [tilespmem:v14+s10+$0x0], $0xffff;
	v10 =	vadd.f32 v10, v11;
	v11 =	vmul.f32 v22, v16;
	v16 =	vor.u32 v34, v59  }
0x1d5: {  	v8 =	vadd.f32 v9, v8;
	v9 =	vmul.f32 v52, v17;
	v17 =	vld.idx.msk [tilespmem:v24+s10+$0x0], $0xffff  }
0x1d6: {  	v15 =	vld.idx.msk [tilespmem:v15+s10+$0x0], $0xffff;
	v10 =	vadd.f32 v11, v10;
	v11 =	vmul.f32 v23, v18  }
0x1d7: {  	v8 =	vadd.f32 v9, v8;
	v9 =	vmul.f32 v54, v19;
	v12 =	vld.idx.msk [tilespmem:v12+s10+$0x0], $0xffff  }
0x1d8: {  	v10 =	vadd.f32 v11, v10;
	v11 =	vmul.f32 v29, v13  }
0x1d9: {  	v8 =	vadd.f32 v9, v8;
	v9 =	vmul.f32 v55, v14;
	v13 =	vld.idx.msk [tilespmem:v16+s10+$0x0], $0xffff  }
0x1da: {  	v14 =	vor.u32 v34, v58;
	v10 =	vadd.f32 v11, v10;
	v11 =	vmul.f32 v30, v17  }
0x1db: {  	v8 =	vadd.f32 v9, v8;
	v9 =	vmul.f32 v57, v15;
	v15 =	vor.u32 v35, v51  }
0x1dc: {  	v10 =	vadd.f32 v11, v10;
	v11 =	vmul.f32 v31, v12  }
0x1dd: {  	v8 =	vadd.f32 v9, v8;
	v9 =	vor.u32 v35, v47;
	v12 =	vor.u32 v34, v1  }
0x1de: {  	v10 =	vadd.f32 v11, v10;
	v11 =	vmul.f32 v7, v13;
	v13 =	vor.u32 v35, v28  }
0x1df: {  	[tilespmem:v14+s11+$0x0] =	vst.idx.msk $0xffff, v8;
	v8 =	vor.u32 v35, v46  }
0x1e0: {  	v14 =	vld.idx.msk [tilespmem:v15+s10+$0x0], $0xffff;
	v10 =	vadd.f32 v11, v10;
	v11 =	vor.u32 v35, v26  }
0x1e1: {  	v15 =	vor.u32 v35, v44  }
0x1e2: {  	v9 =	vld.idx.msk [tilespmem:v9+s10+$0x0], $0xffff;
	[tilespmem:v12+s11+$0x0] =	vst.idx.msk $0xffff, v10;
	v10 =	vor.u32 v35, v4  }
0x1e3: {  	v12 =	vor.u32 v35, v43;
	v13 =	vld.idx.msk [tilespmem:v13+s10+$0x0], $0xffff  }
0x1e4: {  	v16 =	vor.u32 v35, v3;
	v8 =	vld.idx.msk [tilespmem:v8+s10+$0x0], $0xffff  }
0x1e5: {  	v17 =	vor.u32 v35, v42;
	v14 =	vmul.f32 v49, v14;
	v11 =	vld.idx.msk [tilespmem:v11+s10+$0x0], $0xffff  }
0x1e6: {  	v18 =	vor.u32 v35, v63;
	v15 =	vld.idx.msk [tilespmem:v15+s10+$0x0], $0xffff  }
0x1e7: {  	v19 =	vor.u32 v35, v41;
	v14 =	vadd.f32 v56, v14;
	v9 =	vmul.f32 v48, v9;
	v10 =	vld.idx.msk [tilespmem:v10+s10+$0x0], $0xffff  }
0x1e8: {  	v20 =	vor.u32 v35, v62;
	v12 =	vld.idx.msk [tilespmem:v12+s10+$0x0], $0xffff;
	v13 =	vmul.f32 v27, v13  }
0x1e9: {  	v16 =	vld.idx.msk [tilespmem:v16+s10+$0x0], $0xffff;
	v9 =	vadd.f32 v9, v14;
	v8 =	vmul.f32 v50, v8;
	v14 =	vor.u32 v35, v40  }
0x1ea: {  	v24 =	vor.u32 v35, v61;
	v17 =	vld.idx.msk [tilespmem:v17+s10+$0x0], $0xffff;
	v13 =	vadd.f32 v5, v13;
	v11 =	vmul.f32 v21, v11  }
0x1eb: {  	v18 =	vld.idx.msk [tilespmem:v18+s10+$0x0], $0xffff;
	v8 =	vadd.f32 v8, v9;
	v9 =	vmul.f32 v45, v15;
	v15 =	vor.u32 v35, v39  }
0x1ec: {  	v19 =	vld.idx.msk [tilespmem:v19+s10+$0x0], $0xffff;
	v11 =	vadd.f32 v11, v13;
	v10 =	vmul.f32 v25, v10;
	v13 =	vor.u32 v35, v60  }
0x1ed: {  	v8 =	vadd.f32 v9, v8;
	v9 =	vmul.f32 v53, v12;
	v12 =	vld.idx.msk [tilespmem:v20+s10+$0x0], $0xffff  }
0x1ee: {  	v14 =	vld.idx.msk [tilespmem:v14+s10+$0x0], $0xffff;
	v10 =	vadd.f32 v10, v11;
	v11 =	vmul.f32 v22, v16;
	v16 =	vor.u32 v35, v59  }
0x1ef: {  	v8 =	vadd.f32 v9, v8;
	v9 =	vmul.f32 v52, v17;
	v17 =	vld.idx.msk [tilespmem:v24+s10+$0x0], $0xffff  }
0x1f0: {  	v15 =	vld.idx.msk [tilespmem:v15+s10+$0x0], $0xffff;
	v10 =	vadd.f32 v11, v10;
	v11 =	vmul.f32 v23, v18  }
0x1f1: {  	v8 =	vadd.f32 v9, v8;
	v9 =	vmul.f32 v54, v19;
	v13 =	vld.idx.msk [tilespmem:v13+s10+$0x0], $0xffff  }
0x1f2: {  	v10 =	vadd.f32 v11, v10;
	v11 =	vmul.f32 v29, v12  }
0x1f3: {  	v8 =	vadd.f32 v9, v8;
	v9 =	vmul.f32 v55, v14;
	v12 =	vld.idx.msk [tilespmem:v16+s10+$0x0], $0xffff  }
0x1f4: {  	v14 =	vor.u32 v35, v58;
	v10 =	vadd.f32 v11, v10;
	v11 =	vmul.f32 v30, v17  }
0x1f5: {  	v8 =	vadd.f32 v9, v8;
	v9 =	vmul.f32 v57, v15;
	v15 =	vor.u32 v36, v51  }
0x1f6: {  	v10 =	vadd.f32 v11, v10;
	v11 =	vmul.f32 v31, v13  }
0x1f7: {  	v8 =	vadd.f32 v9, v8;
	v9 =	vor.u32 v36, v47;
	v13 =	vor.u32 v35, v1  }
0x1f8: {  	v10 =	vadd.f32 v11, v10;
	v11 =	vmul.f32 v7, v12;
	v12 =	vor.u32 v36, v28  }
0x1f9: {  	[tilespmem:v14+s11+$0x0] =	vst.idx.msk $0xffff, v8;
	v8 =	vor.u32 v36, v46  }
0x1fa: {  	v14 =	vld.idx.msk [tilespmem:v15+s10+$0x0], $0xffff;
	v10 =	vadd.f32 v11, v10;
	v11 =	vor.u32 v36, v26  }
0x1fb: {  	v15 =	vor.u32 v36, v44  }
0x1fc: {  	v9 =	vld.idx.msk [tilespmem:v9+s10+$0x0], $0xffff;
	[tilespmem:v13+s11+$0x0] =	vst.idx.msk $0xffff, v10;
	v10 =	vor.u32 v36, v4  }
0x1fd: {  	v13 =	vor.u32 v36, v43;
	v12 =	vld.idx.msk [tilespmem:v12+s10+$0x0], $0xffff  }
0x1fe: {  	v16 =	vor.u32 v36, v3;
	v8 =	vld.idx.msk [tilespmem:v8+s10+$0x0], $0xffff  }
0x1ff: {  	v17 =	vor.u32 v36, v42;
	v14 =	vmul.f32 v49, v14;
	v11 =	vld.idx.msk [tilespmem:v11+s10+$0x0], $0xffff  }
0x200: {  	v18 =	vor.u32 v36, v63;
	v15 =	vld.idx.msk [tilespmem:v15+s10+$0x0], $0xffff  }
0x201: {  	v19 =	vor.u32 v36, v41;
	v14 =	vadd.f32 v56, v14;
	v9 =	vmul.f32 v48, v9;
	v10 =	vld.idx.msk [tilespmem:v10+s10+$0x0], $0xffff  }
0x202: {  	v20 =	vor.u32 v36, v62;
	v13 =	vld.idx.msk [tilespmem:v13+s10+$0x0], $0xffff;
	v12 =	vmul.f32 v27, v12  }
0x203: {  	v16 =	vld.idx.msk [tilespmem:v16+s10+$0x0], $0xffff;
	v9 =	vadd.f32 v9, v14;
	v8 =	vmul.f32 v50, v8;
	v14 =	vor.u32 v36, v40  }
0x204: {  	v24 =	vor.u32 v36, v61;
	v17 =	vld.idx.msk [tilespmem:v17+s10+$0x0], $0xffff;
	v12 =	vadd.f32 v5, v12;
	v11 =	vmul.f32 v21, v11  }
0x205: {  	v18 =	vld.idx.msk [tilespmem:v18+s10+$0x0], $0xffff;
	v8 =	vadd.f32 v8, v9;
	v9 =	vmul.f32 v45, v15;
	v15 =	vor.u32 v36, v39  }
0x206: {  	v19 =	vld.idx.msk [tilespmem:v19+s10+$0x0], $0xffff;
	v11 =	vadd.f32 v11, v12;
	v10 =	vmul.f32 v25, v10;
	v12 =	vor.u32 v36, v60  }
0x207: {  	v8 =	vadd.f32 v9, v8;
	v9 =	vmul.f32 v53, v13;
	v13 =	vld.idx.msk [tilespmem:v20+s10+$0x0], $0xffff  }
0x208: {  	v14 =	vld.idx.msk [tilespmem:v14+s10+$0x0], $0xffff;
	v10 =	vadd.f32 v10, v11;
	v11 =	vmul.f32 v22, v16;
	v16 =	vor.u32 v36, v59  }
0x209: {  	v8 =	vadd.f32 v9, v8;
	v9 =	vmul.f32 v52, v17;
	v17 =	vld.idx.msk [tilespmem:v24+s10+$0x0], $0xffff  }
0x20a: {  	v15 =	vld.idx.msk [tilespmem:v15+s10+$0x0], $0xffff;
	v10 =	vadd.f32 v11, v10;
	v11 =	vmul.f32 v23, v18  }
0x20b: {  	v8 =	vadd.f32 v9, v8;
	v9 =	vmul.f32 v54, v19;
	v12 =	vld.idx.msk [tilespmem:v12+s10+$0x0], $0xffff  }
0x20c: {  	v10 =	vadd.f32 v11, v10;
	v11 =	vmul.f32 v29, v13  }
0x20d: {  	v8 =	vadd.f32 v9, v8;
	v9 =	vmul.f32 v55, v14;
	v13 =	vld.idx.msk [tilespmem:v16+s10+$0x0], $0xffff  }
0x20e: {  	v14 =	vor.u32 v36, v58;
	v10 =	vadd.f32 v11, v10;
	v11 =	vmul.f32 v30, v17  }
0x20f: {  	v8 =	vadd.f32 v9, v8;
	v9 =	vmul.f32 v57, v15;
	v15 =	vor.u32 v37, v51  }
0x210: {  	v10 =	vadd.f32 v11, v10;
	v11 =	vmul.f32 v31, v12  }
0x211: {  	v8 =	vadd.f32 v9, v8;
	v9 =	vor.u32 v37, v47;
	v12 =	vor.u32 v36, v1  }
0x212: {  	v10 =	vadd.f32 v11, v10;
	v11 =	vmul.f32 v7, v13;
	v13 =	vor.u32 v37, v28  }
0x213: {  	[tilespmem:v14+s11+$0x0] =	vst.idx.msk $0xffff, v8;
	v8 =	vor.u32 v37, v46  }
0x214: {  	v14 =	vld.idx.msk [tilespmem:v15+s10+$0x0], $0xffff;
	v10 =	vadd.f32 v11, v10;
	v11 =	vor.u32 v37, v26  }
0x215: {  	v15 =	vor.u32 v37, v44  }
0x216: {  	v9 =	vld.idx.msk [tilespmem:v9+s10+$0x0], $0xffff;
	[tilespmem:v12+s11+$0x0] =	vst.idx.msk $0xffff, v10;
	v10 =	vor.u32 v37, v4  }
0x217: {  	v12 =	vor.u32 v37, v43;
	v13 =	vld.idx.msk [tilespmem:v13+s10+$0x0], $0xffff  }
0x218: {  	v16 =	vor.u32 v37, v3;
	v8 =	vld.idx.msk [tilespmem:v8+s10+$0x0], $0xffff  }
0x219: {  	v17 =	vor.u32 v37, v42;
	v14 =	vmul.f32 v49, v14;
	v11 =	vld.idx.msk [tilespmem:v11+s10+$0x0], $0xffff  }
0x21a: {  	v18 =	vor.u32 v37, v63;
	v15 =	vld.idx.msk [tilespmem:v15+s10+$0x0], $0xffff  }
0x21b: {  	v19 =	vor.u32 v37, v41;
	v14 =	vadd.f32 v56, v14;
	v9 =	vmul.f32 v48, v9;
	v10 =	vld.idx.msk [tilespmem:v10+s10+$0x0], $0xffff  }
0x21c: {  	v20 =	vor.u32 v37, v62;
	v12 =	vld.idx.msk [tilespmem:v12+s10+$0x0], $0xffff;
	v13 =	vmul.f32 v27, v13  }
0x21d: {  	v16 =	vld.idx.msk [tilespmem:v16+s10+$0x0], $0xffff;
	v9 =	vadd.f32 v9, v14;
	v8 =	vmul.f32 v50, v8;
	v14 =	vor.u32 v37, v40  }
0x21e: {  	v24 =	vor.u32 v37, v61;
	v17 =	vld.idx.msk [tilespmem:v17+s10+$0x0], $0xffff;
	v13 =	vadd.f32 v5, v13;
	v11 =	vmul.f32 v21, v11  }
0x21f: {  	v8 =	vadd.f32 v8, v9;
	v9 =	vmul.f32 v45, v15;
	v15 =	vld.idx.msk [tilespmem:v18+s10+$0x0], $0xffff  }
0x220: {  	v18 =	vld.idx.msk [tilespmem:v19+s10+$0x0], $0xffff;
	v11 =	vadd.f32 v11, v13;
	v10 =	vmul.f32 v25, v10;
	v13 =	vor.u32 v37, v60  }
0x221: {  	v19 =	vld.idx.msk [tilespmem:v20+s10+$0x0], $0xffff;
	v8 =	vadd.f32 v9, v8;
	v9 =	vmul.f32 v53, v12;
	v12 =	vor.u32 v37, v39  }
0x222: {  	v14 =	vld.idx.msk [tilespmem:v14+s10+$0x0], $0xffff;
	v10 =	vadd.f32 v10, v11;
	v11 =	vmul.f32 v22, v16  }
0x223: {  	v16 =	vor.u32 v37, v59;
	v8 =	vadd.f32 v9, v8;
	v9 =	vmul.f32 v52, v17;
	v17 =	vld.idx.msk [tilespmem:v24+s10+$0x0], $0xffff  }
0x224: {  	v10 =	vadd.f32 v11, v10;
	v11 =	vmul.f32 v23, v15  }
0x225: {  	v8 =	vadd.f32 v9, v8;
	v9 =	vmul.f32 v54, v18;
	v13 =	vld.idx.msk [tilespmem:v13+s10+$0x0], $0xffff  }
0x226: {  	v10 =	vadd.f32 v11, v10;
	v11 =	vld.idx.msk [tilespmem:v12+s10+$0x0], $0xffff;
	v12 =	vmul.f32 v29, v19  }
0x227: {  	v8 =	vadd.f32 v9, v8;
	v9 =	vmul.f32 v55, v14  }
0x228: {  	v14 =	vld.idx.msk [tilespmem:v16+s10+$0x0], $0xffff;
	v10 =	vadd.f32 v12, v10;
	v12 =	vmul.f32 v30, v17  }
0x229: {  	v8 =	vadd.f32 v9, v8  }
0x22a: {  	v9 =	vor.u32 v37, v58;
	v10 =	vadd.f32 v12, v10;
	v12 =	vmul.f32 v31, v13  }
0x22b: {  	v13 =	vor.u32 v38, v51;
	v11 =	vmul.f32 v57, v11  }
0x22c: {  	v20 =	vld [tilespmem:$0x1FFF0];
	v15 =	vor.u32 v37, v1;
	v10 =	vadd.f32 v12, v10  }
0x22d: {  	v24 =	vmovc v2;
	v2 =	vld [tilespmem:$0x1FF00];
	v12 =	vmul.f32 v7, v14;
	v14 =	vor.u32 v38, v28;
	v8 =	vadd.f32 v11, v8  }
0x22e: {  	v3 =	vor.u32 v38, v3;
	v4 =	vor.u32 v38, v4;
	v19 =	vld [tilespmem:$0x1FF90]  }
0x22f: {  	v17 =	vor.u32 v38, v62;
	v62 =	vld [tilespmem:$0x1FFD0];
	v10 =	vadd.f32 v12, v10;
	[tilespmem:v9+s11+$0x0] =	vst.idx.msk $0xffff, v8  }
0x230: {  	v11 =	vor.u32 v38, v47;
	v9 =	vld.idx.msk [tilespmem:v13+s10+$0x0], $0xffff  }
0x231: {  	v12 =	vor.u32 v38, v26;
	[tilespmem:v15+s11+$0x0] =	vst.idx.msk $0xffff, v10;
	v15 =	vor.u32 v38, v63;
	v63 =	vld [tilespmem:$0x1FFE0]  }
0x232: {  	v8 =	vor.u32 v38, v46;
	v13 =	vld.idx.msk [tilespmem:v14+s10+$0x0], $0xffff  }
0x233: {  	v4 =	vld.idx.msk [tilespmem:v4+s10+$0x0], $0xffff  }
0x234: {  	v10 =	vor.u32 v38, v44;
	v3 =	vld.idx.msk [tilespmem:v3+s10+$0x0], $0xffff  }
0x235: {  	v11 =	vld.idx.msk [tilespmem:v11+s10+$0x0], $0xffff  }
0x236: {  	v14 =	vor.u32 v38, v43;
	v12 =	vld.idx.msk [tilespmem:v12+s10+$0x0], $0xffff  }
0x237: {  	v8 =	vld.idx.msk [tilespmem:v8+s10+$0x0], $0xffff  }
0x238: {  	v16 =	vor.u32 v38, v42;
	v17 =	vld.idx.msk [tilespmem:v17+s10+$0x0], $0xffff;
	v9 =	vmul.f32 v49, v9  }
0x239: {  	v10 =	vld.idx.msk [tilespmem:v10+s10+$0x0], $0xffff;
	v13 =	vmul.f32 v27, v13  }
0x23a: {  	v18 =	vor.u32 v38, v41;
	v15 =	vld.idx.msk [tilespmem:v15+s10+$0x0], $0xffff;
	v9 =	vadd.f32 v56, v9;
	v11 =	vmul.f32 v48, v11  }
0x23b: {  	v5 =	vadd.f32 v5, v13;
	v12 =	vmul.f32 v21, v12;
	v13 =	vld.idx.msk [tilespmem:v14+s10+$0x0], $0xffff  }
0x23c: {  	v14 =	vor.u32 v38, v61;
	v61 =	vld [tilespmem:$0x1FFC0];
	v9 =	vadd.f32 v11, v9;
	v8 =	vmul.f32 v50, v8  }
0x23d: {  	v4 =	vmul.f32 v25, v4;
	v11 =	vor.u32 v38, v40;
	v5 =	vadd.f32 v12, v5;
	v12 =	vld.idx.msk [tilespmem:v16+s10+$0x0], $0xffff  }
0x23e: {  	v16 =	vor.u32 v38, v60;
	v60 =	vld [tilespmem:$0x1FFB0];
	v8 =	vadd.f32 v8, v9  }
0x23f: {  	v9 =	vmul.f32 v45, v10;
	v10 =	vor.u32 v38, v39;
	v4 =	vadd.f32 v4, v5;
	v5 =	vld.idx.msk [tilespmem:v18+s10+$0x0], $0xffff  }
0x240: {  	v3 =	vmul.f32 v22, v3;
	v18 =	vor.u32 v38, v59;
	v59 =	vld [tilespmem:$0x1FFA0]  }
0x241: {  	v8 =	vadd.f32 v9, v8;
	v9 =	vmul.f32 v53, v13;
	v13 =	vld.idx.msk [tilespmem:v14+s10+$0x0], $0xffff  }
0x242: {  	v3 =	vadd.f32 v3, v4;
	v4 =	vmul.f32 v23, v15;
	v11 =	vld.idx.msk [tilespmem:v11+s10+$0x0], $0xffff  }
0x243: {  	v8 =	vadd.f32 v9, v8;
	v9 =	vmul.f32 v52, v12;
	v12 =	vld.idx.msk [tilespmem:v16+s10+$0x0], $0xffff  }
0x244: {  	v10 =	vld.idx.msk [tilespmem:v10+s10+$0x0], $0xffff;
	v3 =	vadd.f32 v4, v3;
	v4 =	vmul.f32 v29, v17  }
0x245: {  	v8 =	vadd.f32 v9, v8;
	v5 =	vmul.f32 v54, v5;
	v9 =	vld.idx.msk [tilespmem:v18+s10+$0x0], $0xffff  }
0x246: {  	v14 =	vld [tilespmem:$0x1FF60];
	v3 =	vadd.f32 v4, v3;
	v4 =	vmul.f32 v30, v13  }
0x247: {  	v15 =	vld [tilespmem:$0x1FF70];
	v5 =	vadd.f32 v5, v8;
	v8 =	vmul.f32 v55, v11  }
0x248: {  	s16 =	sadd.s32 $0x2, s16;
	v16 =	vld [tilespmem:$0x1FF40];
	v11 =	vor.u32 v38, v58;
	v3 =	vadd.f32 v4, v3;
	v4 =	vmul.f32 v31, v12  }
0x249: {  	p0 =	slt.u32 s16, $0x7E;
	v1 =	vor.u32 v38, v1;
	v17 =	vld [tilespmem:$0x1FF50];
	v5 =	vadd.f32 v8, v5;
	v8 =	vmul.f32 v57, v10  }
.Ltmp1:
0x24a: {  	v18 =	vld [tilespmem:$0x1FF80];
	v3 =	vadd.f32 v4, v3;
	v4 =	vmul.f32 v7, v9;
	(pc) =	sbr.rel @p0 .LBB2_4-.Ltmp1, $4  }
0x24b: {  	v41 =	vimm.s32 $0x200;
	v28 =	vimm.s32 $0x8;
	v13 =	vld [tilespmem:$0x1FF30];
	v5 =	vadd.f32 v8, v5  }
0x24c: {  	v26 =	vimm.s32 $0x2;
	v27 =	vimm.s32 $0x4;
	v58 =	vmovc v6;
	v6 =	vld [tilespmem:$0x1FEF0];
	v3 =	vadd.f32 v4, v3  }
0x24d: {  	v25 =	vimm.s32 $0x1;
	v40 =	vimm.s32 $0x100;
	v39 =	vimm.s32 $0x80;
	v12 =	vld [tilespmem:$0x1FF20];
	[tilespmem:v11+s11+$0x0] =	vst.idx.msk $0xffff, v5  }
0x24e: {  	s17 =	sadd.s32 $0x20, s17;
	s18 =	sadd.s32 $0x140, s18;
	v29 =	vimm.s32 $0x10;
	v30 =	vimm.s32 $0x20;
	v31 =	vimm.s32 $0x40;
	v11 =	vld [tilespmem:$0x1FF10];
	[tilespmem:v1+s11+$0x0] =	vst.idx.msk $0xffff, v3  }
0x24f: {  	s15 =	sadd.s32 $0x1, s15  }
0x250: {  	p0 =	sne.s32 s15, s7  }
.Ltmp2:
0x251: {  	_ = 	snop;
	(pc) =	sbr.rel @p0 .LBB2_1-.Ltmp2, $4  }
0x252: {  	[hbm4b:s6+s12] =	stream.strided.scatter [tilespmem:s11], [sflag:$0x2], $0x8000, s13, s12, $0x38;
	[tilespmem:$0x18FE0] =	vst v63  }
0x253: {  	_ =	swait.ge [sflag:s14], $0x8000  }
0x254: {  	[sflag:s14] =	ssyncset.done $0x0  }
0x255: {  	[sflag:s14] =	ssyncadd.s32 $0xFFFF8000  }
0x256: {  	_ =	sfence.sel $0x180000  }
0x257: {  	[bflag:$0x0] =	sbarrier.arrive $0xFFFF  }
0x258: {  	_ =	strace $0x90000047  }
0x259: {  	s0 =	stileid.u32;
	[bflag:$0x2] =	sbarrier.arrive $0xFFFF  }
0x25a: {  	p0 =	sne.s32 s0, $0x0;
	s0 =	rddreg [dreg:$0x2]  }
0x25b: {  	s0 =	sadd.s32 @!p0 $0x100000, s0  }
0x25c: {  	[sflag:s0] =	ssyncadd.tile.s32 @!p0 $0x1;
	_ =	shalt  }
.Lfunc_end2:
_tile_overlayer_lowered:
.L_overlay_start_2:
0x25d: {  	(tag) =	ssettag $0x2  }
0x25e: {  	s0 =	rddreg [dreg:$0x0];
	s2 =	stileid.u32  }
0x25f: {  	s1 =	rddreg [dreg:$0x1];
	p0 =	sne.s32 s2, $0x0  }
0x260: {  	s3 =	rddreg [dreg:$0x2];
	[bflag:$0x3] =	sbarrier.arrive $0xFFFF;
	s2 =	simm.s32 @!p0 $0x1C02  }
0x261: {  	[timem:s3], [sflag:s2] =	dma.local @!p0 [hbm:s0], s1  }
0x262: {  	s0 =	simm.s32 @!p0 $0x2  }
0x263: {  	_ =	swait.ge @!p0 [sflag:s0], s1  }
0x264: {  	s1 =	ssub.s32 @!p0 $0x0, s1;
	[sflag:s0] =	ssyncset.done @!p0 $0x0  }
0x265: {  	[sflag:s0] =	ssyncadd.s32 @!p0 s1  }
0x266: {  	[bflag:$0x3] =	sbarrier.arrive $0xFFFF  }
0x267: {  	_ =	shalt  }

</sc_bundles>
